<compile_context>
chip_gen: v7x
topology: tpu7x:2x2x1
jax: 0.10.2.dev20260603
libtpu: 0.0.44.dev20260713+nightly
codegen_flags: <defaults>
</compile_context>

<pallas_src>
import functools

import numpy as np
import jax
import jax.numpy as jnp
from jax import lax
from jax.experimental import pallas as pl
from jax.experimental.pallas import tpu as pltpu
from jax.experimental.pallas import tpu_sc as plsc

NUM_EMB = 8192
DIM = 32
N_TOK = 8192
TOK_BLK = 1024
ARG_WIN = 2048
STRIDE = 128
COMMIT = 0.1
EPS = float(np.finfo(np.float32).eps)

SC_NC = 2
SC_NS = 16
SC_NW = SC_NC * SC_NS
TOK_PER_W = N_TOK // SC_NW
CHUNK = 128
CHUNKS_PER_W = TOK_PER_W // CHUNK


def _k1_body(x_ref, w_ref, ws_ref, idx_ref):
    x = x_ref[...]
    m2 = lax.dot_general((x * np.float32(-2.0)).astype(jnp.bfloat16),
                         w_ref[...].astype(jnp.bfloat16),
                         (((1,), (1,)), ((), ())),
                         preferred_element_type=jnp.float32)
    xs = jnp.sum(x * x, axis=1, keepdims=True)
    ws = ws_ref[...]
    big = jnp.int32(np.int32(2**31 - 1))
    lane_col = lax.broadcasted_iota(jnp.int32, (TOK_BLK, STRIDE), 1)
    best_v = None
    best_i = None
    for c in range(NUM_EMB // ARG_WIN):
        run_v = None
        run_i = None
        for s in range(ARG_WIN // STRIDE):
            j0 = c * ARG_WIN + s * STRIDE
            ds = (xs + ws[:, j0:j0 + STRIDE]) + m2[:, j0:j0 + STRIDE]
            if run_v is None:
                run_v = ds
                run_i = lane_col + jnp.int32(j0)
            else:
                take = ds < run_v
                run_v = jnp.where(take, ds, run_v)
                run_i = jnp.where(take, lane_col + jnp.int32(j0), run_i)
        mnc = jnp.min(run_v, axis=1, keepdims=True)
        idxc = jnp.min(jnp.where(run_v == mnc, run_i, big), axis=1, keepdims=True)
        mnc_r = mnc.astype(jnp.bfloat16).astype(jnp.float32)
        if best_v is None:
            best_v, best_i = mnc_r, idxc
        else:
            take = mnc < best_v
            best_v = jnp.where(take, mnc_r, best_v)
            best_i = jnp.where(take, idxc, best_i)
    idx_ref[0, 0, :] = best_i[:, 0]


def _k1_call(x2, w, ws2):
    n_blk = N_TOK // TOK_BLK
    out = pl.pallas_call(
        _k1_body,
        grid=(n_blk,),
        in_specs=[
            pl.BlockSpec((TOK_BLK, DIM), lambda i: (i, 0)),
            pl.BlockSpec((NUM_EMB, DIM), lambda i: (0, 0)),
            pl.BlockSpec((1, NUM_EMB), lambda i: (0, 0)),
        ],
        out_specs=pl.BlockSpec((1, 1, TOK_BLK), lambda i: (i, 0, 0)),
        out_shape=jax.ShapeDtypeStruct((n_blk, 1, TOK_BLK), jnp.int32),
    )(x2, w, ws2)
    return out.reshape(-1)


def _k2_body(idx_hbm, w_hbm, out_hbm, cnt_hbm,
             idx_v, rows_v, ones_v, zeros_v, hist_sh, sem):
    cid = lax.axis_index("c")
    sid = lax.axis_index("s")
    wid = sid * SC_NC + cid

    for i in range(CHUNK // 16):
        ones_v[pl.ds(i * 16, 16)] = jnp.ones((16,), jnp.float32)
    zchunk = NUM_EMB // SC_NS
    for i in range(zchunk // 16):
        zeros_v[pl.ds(i * 16, 16)] = jnp.zeros((16,), jnp.float32)
    pltpu.sync_copy(zeros_v, hist_sh.at[pl.ds(sid * zchunk, zchunk)])
    plsc.subcore_barrier()

    pltpu.sync_copy(idx_hbm.at[pl.ds(CHUNKS_PER_W * wid, CHUNKS_PER_W)], idx_v)
    copies = [pltpu.async_copy(w_hbm.at[idx_v.at[j]], rows_v.at[j], sem)
              for j in range(CHUNKS_PER_W)]
    for j in range(CHUNKS_PER_W):
        pltpu.sync_copy(ones_v, hist_sh.at[idx_v.at[j]], add=True)
    for c in copies:
        c.wait()
    pltpu.sync_copy(rows_v, out_hbm.at[pl.ds(CHUNKS_PER_W * wid, CHUNKS_PER_W)])

    plsc.subcore_barrier()

    @pl.when(sid == 0)
    def _():
        pltpu.sync_copy(hist_sh, cnt_hbm.at[cid])


def _k2_call(idx2, w):
    mesh = plsc.VectorSubcoreMesh(core_axis_name="c", subcore_axis_name="s")
    fn = functools.partial(
        pl.kernel,
        mesh=mesh,
        out_type=[
            jax.ShapeDtypeStruct((N_TOK // CHUNK, CHUNK, DIM), jnp.float32),
            jax.ShapeDtypeStruct((SC_NC, NUM_EMB), jnp.float32),
        ],
        scratch_types=[
            pltpu.VMEM((CHUNKS_PER_W, CHUNK), jnp.int32),
            pltpu.VMEM((CHUNKS_PER_W, CHUNK, DIM), jnp.float32),
            pltpu.VMEM((CHUNK,), jnp.float32),
            pltpu.VMEM((NUM_EMB // SC_NS,), jnp.float32),
            pltpu.VMEM_SHARED((NUM_EMB,), jnp.float32),
            pltpu.SemaphoreType.DMA,
        ],
        compiler_params=pltpu.CompilerParams(use_tc_tiling_on_sc=False),
    )(_k2_body)
    return fn(idx2, w)


def _k3_body(x_ref, q_ref, cnt_ref, qst_ref, loss_ref, perp_ref):
    x = x_ref[...]
    q = q_ref[...]
    diff = q - x
    qst_ref[...] = x + diff
    m = jnp.sum(diff * diff) * np.float32(1.0 / (N_TOK * DIM))
    loss_ref[...] = jnp.reshape(m + np.float32(COMMIT) * m, (1, 1))
    p = (cnt_ref[0:1, :] + cnt_ref[1:2, :]) * np.float32(1.0 / N_TOK)
    ent = jnp.sum(p * jnp.log(p + np.float32(EPS)))
    perp_ref[...] = jnp.reshape(jnp.exp(-ent), (1, 1))


def _k3_call(x2, q2, cnt):
    return pl.pallas_call(
        _k3_body,
        out_shape=[
            jax.ShapeDtypeStruct((N_TOK, DIM), jnp.float32),
            jax.ShapeDtypeStruct((1, 1), jnp.float32),
            jax.ShapeDtypeStruct((1, 1), jnp.float32),
        ],
    )(x2, q2, cnt)


def kernel(X, W):
    x2 = X.reshape(-1, DIM)
    ws2 = jnp.sum(W ** 2, axis=1).reshape(1, NUM_EMB)
    enc = _k1_call(x2, W, ws2)
    idx2 = enc.reshape(N_TOK // CHUNK, CHUNK)
    q_blocks, cnt = _k2_call(idx2, W)
    q2 = q_blocks.reshape(N_TOK, DIM)
    qst, loss, perp = _k3_call(x2, q2, cnt)
    quantized_st = qst.reshape(X.shape)
    enc_idx = enc.reshape(X.shape[0], -1)
    return quantized_st, enc_idx, perp.reshape(()), loss.reshape(())

# --- scband reference (transcript-rebuilt; emitter-appended) ---
"""Pipeline reference for scband-vector-quantizer-481036337338 (READ-ONLY COPY).

The authoritative reference and input builder live on the scoring server;
editing this copy changes nothing except your own understanding.
"""

import jax, jax.numpy as jnp
import numpy as np

NUM_EMBEDDINGS = 8192
EMBEDDING_DIM = 32
COMMITMENT_COST = 0.1


def setup_inputs(seed: int = 0) -> dict:
    key = jax.random.key(seed)
    k1, k2 = jax.random.split(key)
    X = jax.random.normal(k1, (8, 1024, EMBEDDING_DIM), dtype=jnp.float32)
    # nn.Embedding weight initialized uniform(-1/K, 1/K)
    W = jax.random.uniform(k2, (NUM_EMBEDDINGS, EMBEDDING_DIM), dtype=jnp.float32,
                           minval=-1.0 / NUM_EMBEDDINGS, maxval=1.0 / NUM_EMBEDDINGS)
    return {"X": X, "W": W}


def reference(X, W):
    d = X.shape[-1]
    X_flatten = X.reshape(-1, d)
    # euclidean distance: ||x||^2 + ||w||^2 - 2 x.w
    distances = (jnp.sum(X_flatten ** 2, axis=-1, keepdims=True)
                 + jnp.sum(W ** 2, axis=1)
                 - 2.0 * jnp.matmul(X_flatten, W.T))
    encoding_indices = jnp.argmin(distances, axis=-1)
    encodings = jax.nn.one_hot(encoding_indices, W.shape[0], dtype=X.dtype)
    quantized = jnp.matmul(encodings, W).reshape(X.shape)
    # vq loss (learnable codebook branch)
    e_latent_loss = jnp.mean((jax.lax.stop_gradient(quantized) - X) ** 2)
    q_latent_loss = jnp.mean((quantized - jax.lax.stop_gradient(X)) ** 2)
    vq_loss = q_latent_loss + COMMITMENT_COST * e_latent_loss
    # perplexity
    eps = jnp.finfo(X.dtype).eps
    avg_probs = jnp.mean(encodings, axis=0)
    perplexity = jnp.exp(-jnp.sum(avg_probs * jnp.log(avg_probs + eps)))
    # straight-through estimator
    quantized_st = X + jax.lax.stop_gradient(quantized - X)
    enc_idx = encoding_indices.reshape(X.shape[0], -1)
    return quantized_st, enc_idx, perplexity, vq_loss

if __name__ == "__main__":
    import jax
    _d = setup_inputs()
    print(jax.jit(kernel)(*tuple(_d.values())))

</pallas_src>

<mosaic_0001>
#map = affine_map<(d0, d1) -> (0, 0)>
#map1 = affine_map<(d0, d1) -> (0, 0, 0)>
module attributes {stable_mosaic.version = 14 : i64} {
  func.func @_k2_body(%arg0: i32, %arg1: i32, %arg2: memref<64x128xi32, #tpu.memory_space<hbm>>, %arg3: memref<8192x32xf32, #tpu.memory_space<hbm>>, %arg4: memref<64x128x32xf32, #tpu.memory_space<hbm>>, %arg5: memref<2x8192xf32, #tpu.memory_space<hbm>>, %arg6: memref<2x128xi32, #tpu.memory_space<vmem>>, %arg7: memref<2x128x32xf32, #tpu.memory_space<vmem>>, %arg8: memref<128xf32, #tpu.memory_space<vmem>>, %arg9: memref<512xf32, #tpu.memory_space<vmem>>, %arg10: memref<8192xf32, #tpu.memory_space<vmem_shared>>, %arg11: memref<!tpu.dma_semaphore, #tpu.memory_space<semaphore_mem>>) attributes {dimension_semantics = [#tpu.dimension_semantics<core_parallel>, #tpu.dimension_semantics<subcore_parallel>], iteration_bounds = array<i64: 2, 16>, scalar_prefetch = 0 : i64, scratch_operands = 6 : i64, tpu.core_type = #tpu.core_type<sc_vector_subcore>, window_params = [{transform_indices = #map}, {transform_indices = #map}, {transform_indices = #map1}, {transform_indices = #map}]} {
    %mul3A = arith.constant 2 : i32
    %mul3A_0 = arith.muli %arg1, %mul3A : i32
    %add3A = arith.addi %mul3A_0, %arg0 : i32
    %broadcast_in_dim3A = arith.constant 1.000000e+00 : f32
    %broadcast_in_dim3A_1 = vector.broadcast %broadcast_in_dim3A : f32 to vector<16xf32>
    %swap3A = arith.constant 0 : index
    %swap3A_2 = tpu.vector_load %arg8[%swap3A] {strides = array<i32>} : memref<128xf32, #tpu.memory_space<vmem>>, vector<16xf32>,
    %swap3A_3 = vector.shape_cast %swap3A_2 : vector<16xf32> to vector<16xf32>
    %swap3A_4 = vector.shape_cast %broadcast_in_dim3A_1 : vector<16xf32> to vector<16xf32>
    tpu.vector_store %arg8[%swap3A], %swap3A_4 {strides = array<i32>} : memref<128xf32, #tpu.memory_space<vmem>>, vector<16xf32>,
    %broadcast_in_dim3A_5 = arith.constant 1.000000e+00 : f32
    %broadcast_in_dim3A_6 = vector.broadcast %broadcast_in_dim3A_5 : f32 to vector<16xf32>
    %swap3A_7 = arith.constant 16 : index
    %swap3A_8 = tpu.vector_load %arg8[%swap3A_7] {strides = array<i32>} : memref<128xf32, #tpu.memory_space<vmem>>, vector<16xf32>,
    %swap3A_9 = vector.shape_cast %swap3A_8 : vector<16xf32> to vector<16xf32>
    %swap3A_10 = vector.shape_cast %broadcast_in_dim3A_6 : vector<16xf32> to vector<16xf32>
    tpu.vector_store %arg8[%swap3A_7], %swap3A_10 {strides = array<i32>} : memref<128xf32, #tpu.memory_space<vmem>>, vector<16xf32>,
    %broadcast_in_dim3A_11 = arith.constant 1.000000e+00 : f32
    %broadcast_in_dim3A_12 = vector.broadcast %broadcast_in_dim3A_11 : f32 to vector<16xf32>
    %swap3A_13 = arith.constant 32 : index
    %swap3A_14 = tpu.vector_load %arg8[%swap3A_13] {strides = array<i32>} : memref<128xf32, #tpu.memory_space<vmem>>, vector<16xf32>,
    %swap3A_15 = vector.shape_cast %swap3A_14 : vector<16xf32> to vector<16xf32>
    %swap3A_16 = vector.shape_cast %broadcast_in_dim3A_12 : vector<16xf32> to vector<16xf32>
    tpu.vector_store %arg8[%swap3A_13], %swap3A_16 {strides = array<i32>} : memref<128xf32, #tpu.memory_space<vmem>>, vector<16xf32>,
    %broadcast_in_dim3A_17 = arith.constant 1.000000e+00 : f32
    %broadcast_in_dim3A_18 = vector.broadcast %broadcast_in_dim3A_17 : f32 to vector<16xf32>
    %swap3A_19 = arith.constant 48 : index
    %swap3A_20 = tpu.vector_load %arg8[%swap3A_19] {strides = array<i32>} : memref<128xf32, #tpu.memory_space<vmem>>, vector<16xf32>,
    %swap3A_21 = vector.shape_cast %swap3A_20 : vector<16xf32> to vector<16xf32>
    %swap3A_22 = vector.shape_cast %broadcast_in_dim3A_18 : vector<16xf32> to vector<16xf32>
    tpu.vector_store %arg8[%swap3A_19], %swap3A_22 {strides = array<i32>} : memref<128xf32, #tpu.memory_space<vmem>>, vector<16xf32>,
    %broadcast_in_dim3A_23 = arith.constant 1.000000e+00 : f32
    %broadcast_in_dim3A_24 = vector.broadcast %broadcast_in_dim3A_23 : f32 to vector<16xf32>
    %swap3A_25 = arith.constant 64 : index
    %swap3A_26 = tpu.vector_load %arg8[%swap3A_25] {strides = array<i32>} : memref<128xf32, #tpu.memory_space<vmem>>, vector<16xf32>,
    %swap3A_27 = vector.shape_cast %swap3A_26 : vector<16xf32> to vector<16xf32>
    %swap3A_28 = vector.shape_cast %broadcast_in_dim3A_24 : vector<16xf32> to vector<16xf32>
    tpu.vector_store %arg8[%swap3A_25], %swap3A_28 {strides = array<i32>} : memref<128xf32, #tpu.memory_space<vmem>>, vector<16xf32>,
    %broadcast_in_dim3A_29 = arith.constant 1.000000e+00 : f32
    %broadcast_in_dim3A_30 = vector.broadcast %broadcast_in_dim3A_29 : f32 to vector<16xf32>
    %swap3A_31 = arith.constant 80 : index
    %swap3A_32 = tpu.vector_load %arg8[%swap3A_31] {strides = array<i32>} : memref<128xf32, #tpu.memory_space<vmem>>, vector<16xf32>,
    %swap3A_33 = vector.shape_cast %swap3A_32 : vector<16xf32> to vector<16xf32>
    %swap3A_34 = vector.shape_cast %broadcast_in_dim3A_30 : vector<16xf32> to vector<16xf32>
    tpu.vector_store %arg8[%swap3A_31], %swap3A_34 {strides = array<i32>} : memref<128xf32, #tpu.memory_space<vmem>>, vector<16xf32>,
    %broadcast_in_dim3A_35 = arith.constant 1.000000e+00 : f32
    %broadcast_in_dim3A_36 = vector.broadcast %broadcast_in_dim3A_35 : f32 to vector<16xf32>
    %swap3A_37 = arith.constant 96 : index
    %swap3A_38 = tpu.vector_load %arg8[%swap3A_37] {strides = array<i32>} : memref<128xf32, #tpu.memory_space<vmem>>, vector<16xf32>,
    %swap3A_39 = vector.shape_cast %swap3A_38 : vector<16xf32> to vector<16xf32>
    %swap3A_40 = vector.shape_cast %broadcast_in_dim3A_36 : vector<16xf32> to vector<16xf32>
    tpu.vector_store %arg8[%swap3A_37], %swap3A_40 {strides = array<i32>} : memref<128xf32, #tpu.memory_space<vmem>>, vector<16xf32>,
    %broadcast_in_dim3A_41 = arith.constant 1.000000e+00 : f32
    %broadcast_in_dim3A_42 = vector.broadcast %broadcast_in_dim3A_41 : f32 to vector<16xf32>
    %swap3A_43 = arith.constant 112 : index
    %swap3A_44 = tpu.vector_load %arg8[%swap3A_43] {strides = array<i32>} : memref<128xf32, #tpu.memory_space<vmem>>, vector<16xf32>,
    %swap3A_45 = vector.shape_cast %swap3A_44 : vector<16xf32> to vector<16xf32>
    %swap3A_46 = vector.shape_cast %broadcast_in_dim3A_42 : vector<16xf32> to vector<16xf32>
    tpu.vector_store %arg8[%swap3A_43], %swap3A_46 {strides = array<i32>} : memref<128xf32, #tpu.memory_space<vmem>>, vector<16xf32>,
    %broadcast_in_dim3A_47 = arith.constant 0.000000e+00 : f32
    %broadcast_in_dim3A_48 = vector.broadcast %broadcast_in_dim3A_47 : f32 to vector<16xf32>
    %swap3A_49 = arith.constant 0 : index
    %swap3A_50 = tpu.vector_load %arg9[%swap3A_49] {strides = array<i32>} : memref<512xf32, #tpu.memory_space<vmem>>, vector<16xf32>,
    %swap3A_51 = vector.shape_cast %swap3A_50 : vector<16xf32> to vector<16xf32>
    %swap3A_52 = vector.shape_cast %broadcast_in_dim3A_48 : vector<16xf32> to vector<16xf32>
    tpu.vector_store %arg9[%swap3A_49], %swap3A_52 {strides = array<i32>} : memref<512xf32, #tpu.memory_space<vmem>>, vector<16xf32>,
    %broadcast_in_dim3A_53 = arith.constant 0.000000e+00 : f32
    %broadcast_in_dim3A_54 = vector.broadcast %broadcast_in_dim3A_53 : f32 to vector<16xf32>
    %swap3A_55 = arith.constant 16 : index
    %swap3A_56 = tpu.vector_load %arg9[%swap3A_55] {strides = array<i32>} : memref<512xf32, #tpu.memory_space<vmem>>, vector<16xf32>,
    %swap3A_57 = vector.shape_cast %swap3A_56 : vector<16xf32> to vector<16xf32>
    %swap3A_58 = vector.shape_cast %broadcast_in_dim3A_54 : vector<16xf32> to vector<16xf32>
    tpu.vector_store %arg9[%swap3A_55], %swap3A_58 {strides = array<i32>} : memref<512xf32, #tpu.memory_space<vmem>>, vector<16xf32>,
    %broadcast_in_dim3A_59 = arith.constant 0.000000e+00 : f32
    %broadcast_in_dim3A_60 = vector.broadcast %broadcast_in_dim3A_59 : f32 to vector<16xf32>
    %swap3A_61 = arith.constant 32 : index
    %swap3A_62 = tpu.vector_load %arg9[%swap3A_61] {strides = array<i32>} : memref<512xf32, #tpu.memory_space<vmem>>, vector<16xf32>,
    %swap3A_63 = vector.shape_cast %swap3A_62 : vector<16xf32> to vector<16xf32>
    %swap3A_64 = vector.shape_cast %broadcast_in_dim3A_60 : vector<16xf32> to vector<16xf32>
    tpu.vector_store %arg9[%swap3A_61], %swap3A_64 {strides = array<i32>} : memref<512xf32, #tpu.memory_space<vmem>>, vector<16xf32>,
    %broadcast_in_dim3A_65 = arith.constant 0.000000e+00 : f32
    %broadcast_in_dim3A_66 = vector.broadcast %broadcast_in_dim3A_65 : f32 to vector<16xf32>
    %swap3A_67 = arith.constant 48 : index
    %swap3A_68 = tpu.vector_load %arg9[%swap3A_67] {strides = array<i32>} : memref<512xf32, #tpu.memory_space<vmem>>, vector<16xf32>,
    %swap3A_69 = vector.shape_cast %swap3A_68 : vector<16xf32> to vector<16xf32>
    %swap3A_70 = vector.shape_cast %broadcast_in_dim3A_66 : vector<16xf32> to vector<16xf32>
    tpu.vector_store %arg9[%swap3A_67], %swap3A_70 {strides = array<i32>} : memref<512xf32, #tpu.memory_space<vmem>>, vector<16xf32>,
    %broadcast_in_dim3A_71 = arith.constant 0.000000e+00 : f32
    %broadcast_in_dim3A_72 = vector.broadcast %broadcast_in_dim3A_71 : f32 to vector<16xf32>
    %swap3A_73 = arith.constant 64 : index
    %swap3A_74 = tpu.vector_load %arg9[%swap3A_73] {strides = array<i32>} : memref<512xf32, #tpu.memory_space<vmem>>, vector<16xf32>,
    %swap3A_75 = vector.shape_cast %swap3A_74 : vector<16xf32> to vector<16xf32>
    %swap3A_76 = vector.shape_cast %broadcast_in_dim3A_72 : vector<16xf32> to vector<16xf32>
    tpu.vector_store %arg9[%swap3A_73], %swap3A_76 {strides = array<i32>} : memref<512xf32, #tpu.memory_space<vmem>>, vector<16xf32>,
    %broadcast_in_dim3A_77 = arith.constant 0.000000e+00 : f32
    %broadcast_in_dim3A_78 = vector.broadcast %broadcast_in_dim3A_77 : f32 to vector<16xf32>
    %swap3A_79 = arith.constant 80 : index
    %swap3A_80 = tpu.vector_load %arg9[%swap3A_79] {strides = array<i32>} : memref<512xf32, #tpu.memory_space<vmem>>, vector<16xf32>,
    %swap3A_81 = vector.shape_cast %swap3A_80 : vector<16xf32> to vector<16xf32>
    %swap3A_82 = vector.shape_cast %broadcast_in_dim3A_78 : vector<16xf32> to vector<16xf32>
    tpu.vector_store %arg9[%swap3A_79], %swap3A_82 {strides = array<i32>} : memref<512xf32, #tpu.memory_space<vmem>>, vector<16xf32>,
    %broadcast_in_dim3A_83 = arith.constant 0.000000e+00 : f32
    %broadcast_in_dim3A_84 = vector.broadcast %broadcast_in_dim3A_83 : f32 to vector<16xf32>
    %swap3A_85 = arith.constant 96 : index
    %swap3A_86 = tpu.vector_load %arg9[%swap3A_85] {strides = array<i32>} : memref<512xf32, #tpu.memory_space<vmem>>, vector<16xf32>,
    %swap3A_87 = vector.shape_cast %swap3A_86 : vector<16xf32> to vector<16xf32>
    %swap3A_88 = vector.shape_cast %broadcast_in_dim3A_84 : vector<16xf32> to vector<16xf32>
    tpu.vector_store %arg9[%swap3A_85], %swap3A_88 {strides = array<i32>} : memref<512xf32, #tpu.memory_space<vmem>>, vector<16xf32>,
    %broadcast_in_dim3A_89 = arith.constant 0.000000e+00 : f32
    %broadcast_in_dim3A_90 = vector.broadcast %broadcast_in_dim3A_89 : f32 to vector<16xf32>
    %swap3A_91 = arith.constant 112 : index
    %swap3A_92 = tpu.vector_load %arg9[%swap3A_91] {strides = array<i32>} : memref<512xf32, #tpu.memory_space<vmem>>, vector<16xf32>,
    %swap3A_93 = vector.shape_cast %swap3A_92 : vector<16xf32> to vector<16xf32>
    %swap3A_94 = vector.shape_cast %broadcast_in_dim3A_90 : vector<16xf32> to vector<16xf32>
    tpu.vector_store %arg9[%swap3A_91], %swap3A_94 {strides = array<i32>} : memref<512xf32, #tpu.memory_space<vmem>>, vector<16xf32>,
    %broadcast_in_dim3A_95 = arith.constant 0.000000e+00 : f32
    %broadcast_in_dim3A_96 = vector.broadcast %broadcast_in_dim3A_95 : f32 to vector<16xf32>
    %swap3A_97 = arith.constant 128 : index
    %swap3A_98 = tpu.vector_load %arg9[%swap3A_97] {strides = array<i32>} : memref<512xf32, #tpu.memory_space<vmem>>, vector<16xf32>,
    %swap3A_99 = vector.shape_cast %swap3A_98 : vector<16xf32> to vector<16xf32>
    %swap3A_100 = vector.shape_cast %broadcast_in_dim3A_96 : vector<16xf32> to vector<16xf32>
    tpu.vector_store %arg9[%swap3A_97], %swap3A_100 {strides = array<i32>} : memref<512xf32, #tpu.memory_space<vmem>>, vector<16xf32>,
    %broadcast_in_dim3A_101 = arith.constant 0.000000e+00 : f32
    %broadcast_in_dim3A_102 = vector.broadcast %broadcast_in_dim3A_101 : f32 to vector<16xf32>
    %swap3A_103 = arith.constant 144 : index
    %swap3A_104 = tpu.vector_load %arg9[%swap3A_103] {strides = array<i32>} : memref<512xf32, #tpu.memory_space<vmem>>, vector<16xf32>,
    %swap3A_105 = vector.shape_cast %swap3A_104 : vector<16xf32> to vector<16xf32>
    %swap3A_106 = vector.shape_cast %broadcast_in_dim3A_102 : vector<16xf32> to vector<16xf32>
    tpu.vector_store %arg9[%swap3A_103], %swap3A_106 {strides = array<i32>} : memref<512xf32, #tpu.memory_space<vmem>>, vector<16xf32>,
    %broadcast_in_dim3A_107 = arith.constant 0.000000e+00 : f32
    %broadcast_in_dim3A_108 = vector.broadcast %broadcast_in_dim3A_107 : f32 to vector<16xf32>
    %swap3A_109 = arith.constant 160 : index
    %swap3A_110 = tpu.vector_load %arg9[%swap3A_109] {strides = array<i32>} : memref<512xf32, #tpu.memory_space<vmem>>, vector<16xf32>,
    %swap3A_111 = vector.shape_cast %swap3A_110 : vector<16xf32> to vector<16xf32>
    %swap3A_112 = vector.shape_cast %broadcast_in_dim3A_108 : vector<16xf32> to vector<16xf32>
    tpu.vector_store %arg9[%swap3A_109], %swap3A_112 {strides = array<i32>} : memref<512xf32, #tpu.memory_space<vmem>>, vector<16xf32>,
    %broadcast_in_dim3A_113 = arith.constant 0.000000e+00 : f32
    %broadcast_in_dim3A_114 = vector.broadcast %broadcast_in_dim3A_113 : f32 to vector<16xf32>
    %swap3A_115 = arith.constant 176 : index
    %swap3A_116 = tpu.vector_load %arg9[%swap3A_115] {strides = array<i32>} : memref<512xf32, #tpu.memory_space<vmem>>, vector<16xf32>,
    %swap3A_117 = vector.shape_cast %swap3A_116 : vector<16xf32> to vector<16xf32>
    %swap3A_118 = vector.shape_cast %broadcast_in_dim3A_114 : vector<16xf32> to vector<16xf32>
    tpu.vector_store %arg9[%swap3A_115], %swap3A_118 {strides = array<i32>} : memref<512xf32, #tpu.memory_space<vmem>>, vector<16xf32>,
    %broadcast_in_dim3A_119 = arith.constant 0.000000e+00 : f32
    %broadcast_in_dim3A_120 = vector.broadcast %broadcast_in_dim3A_119 : f32 to vector<16xf32>
    %swap3A_121 = arith.constant 192 : index
    %swap3A_122 = tpu.vector_load %arg9[%swap3A_121] {strides = array<i32>} : memref<512xf32, #tpu.memory_space<vmem>>, vector<16xf32>,
    %swap3A_123 = vector.shape_cast %swap3A_122 : vector<16xf32> to vector<16xf32>
    %swap3A_124 = vector.shape_cast %broadcast_in_dim3A_120 : vector<16xf32> to vector<16xf32>
    tpu.vector_store %arg9[%swap3A_121], %swap3A_124 {strides = array<i32>} : memref<512xf32, #tpu.memory_space<vmem>>, vector<16xf32>,
    %broadcast_in_dim3A_125 = arith.constant 0.000000e+00 : f32
    %broadcast_in_dim3A_126 = vector.broadcast %broadcast_in_dim3A_125 : f32 to vector<16xf32>
    %swap3A_127 = arith.constant 208 : index
    %swap3A_128 = tpu.vector_load %arg9[%swap3A_127] {strides = array<i32>} : memref<512xf32, #tpu.memory_space<vmem>>, vector<16xf32>,
    %swap3A_129 = vector.shape_cast %swap3A_128 : vector<16xf32> to vector<16xf32>
    %swap3A_130 = vector.shape_cast %broadcast_in_dim3A_126 : vector<16xf32> to vector<16xf32>
    tpu.vector_store %arg9[%swap3A_127], %swap3A_130 {strides = array<i32>} : memref<512xf32, #tpu.memory_space<vmem>>, vector<16xf32>,
    %broadcast_in_dim3A_131 = arith.constant 0.000000e+00 : f32
    %broadcast_in_dim3A_132 = vector.broadcast %broadcast_in_dim3A_131 : f32 to vector<16xf32>
    %swap3A_133 = arith.constant 224 : index
    %swap3A_134 = tpu.vector_load %arg9[%swap3A_133] {strides = array<i32>} : memref<512xf32, #tpu.memory_space<vmem>>, vector<16xf32>,
    %swap3A_135 = vector.shape_cast %swap3A_134 : vector<16xf32> to vector<16xf32>
    %swap3A_136 = vector.shape_cast %broadcast_in_dim3A_132 : vector<16xf32> to vector<16xf32>
    tpu.vector_store %arg9[%swap3A_133], %swap3A_136 {strides = array<i32>} : memref<512xf32, #tpu.memory_space<vmem>>, vector<16xf32>,
    %broadcast_in_dim3A_137 = arith.constant 0.000000e+00 : f32
    %broadcast_in_dim3A_138 = vector.broadcast %broadcast_in_dim3A_137 : f32 to vector<16xf32>
    %swap3A_139 = arith.constant 240 : index
    %swap3A_140 = tpu.vector_load %arg9[%swap3A_139] {strides = array<i32>} : memref<512xf32, #tpu.memory_space<vmem>>, vector<16xf32>,
    %swap3A_141 = vector.shape_cast %swap3A_140 : vector<16xf32> to vector<16xf32>
    %swap3A_142 = vector.shape_cast %broadcast_in_dim3A_138 : vector<16xf32> to vector<16xf32>
    tpu.vector_store %arg9[%swap3A_139], %swap3A_142 {strides = array<i32>} : memref<512xf32, #tpu.memory_space<vmem>>, vector<16xf32>,
    %broadcast_in_dim3A_143 = arith.constant 0.000000e+00 : f32
    %broadcast_in_dim3A_144 = vector.broadcast %broadcast_in_dim3A_143 : f32 to vector<16xf32>
    %swap3A_145 = arith.constant 256 : index
    %swap3A_146 = tpu.vector_load %arg9[%swap3A_145] {strides = array<i32>} : memref<512xf32, #tpu.memory_space<vmem>>, vector<16xf32>,
    %swap3A_147 = vector.shape_cast %swap3A_146 : vector<16xf32> to vector<16xf32>
    %swap3A_148 = vector.shape_cast %broadcast_in_dim3A_144 : vector<16xf32> to vector<16xf32>
    tpu.vector_store %arg9[%swap3A_145], %swap3A_148 {strides = array<i32>} : memref<512xf32, #tpu.memory_space<vmem>>, vector<16xf32>,
    %broadcast_in_dim3A_149 = arith.constant 0.000000e+00 : f32
    %broadcast_in_dim3A_150 = vector.broadcast %broadcast_in_dim3A_149 : f32 to vector<16xf32>
    %swap3A_151 = arith.constant 272 : index
    %swap3A_152 = tpu.vector_load %arg9[%swap3A_151] {strides = array<i32>} : memref<512xf32, #tpu.memory_space<vmem>>, vector<16xf32>,
    %swap3A_153 = vector.shape_cast %swap3A_152 : vector<16xf32> to vector<16xf32>
    %swap3A_154 = vector.shape_cast %broadcast_in_dim3A_150 : vector<16xf32> to vector<16xf32>
    tpu.vector_store %arg9[%swap3A_151], %swap3A_154 {strides = array<i32>} : memref<512xf32, #tpu.memory_space<vmem>>, vector<16xf32>,
    %broadcast_in_dim3A_155 = arith.constant 0.000000e+00 : f32
    %broadcast_in_dim3A_156 = vector.broadcast %broadcast_in_dim3A_155 : f32 to vector<16xf32>
    %swap3A_157 = arith.constant 288 : index
    %swap3A_158 = tpu.vector_load %arg9[%swap3A_157] {strides = array<i32>} : memref<512xf32, #tpu.memory_space<vmem>>, vector<16xf32>,
    %swap3A_159 = vector.shape_cast %swap3A_158 : vector<16xf32> to vector<16xf32>
    %swap3A_160 = vector.shape_cast %broadcast_in_dim3A_156 : vector<16xf32> to vector<16xf32>
    tpu.vector_store %arg9[%swap3A_157], %swap3A_160 {strides = array<i32>} : memref<512xf32, #tpu.memory_space<vmem>>, vector<16xf32>,
    %broadcast_in_dim3A_161 = arith.constant 0.000000e+00 : f32
    %broadcast_in_dim3A_162 = vector.broadcast %broadcast_in_dim3A_161 : f32 to vector<16xf32>
    %swap3A_163 = arith.constant 304 : index
    %swap3A_164 = tpu.vector_load %arg9[%swap3A_163] {strides = array<i32>} : memref<512xf32, #tpu.memory_space<vmem>>, vector<16xf32>,
    %swap3A_165 = vector.shape_cast %swap3A_164 : vector<16xf32> to vector<16xf32>
    %swap3A_166 = vector.shape_cast %broadcast_in_dim3A_162 : vector<16xf32> to vector<16xf32>
    tpu.vector_store %arg9[%swap3A_163], %swap3A_166 {strides = array<i32>} : memref<512xf32, #tpu.memory_space<vmem>>, vector<16xf32>,
    %broadcast_in_dim3A_167 = arith.constant 0.000000e+00 : f32
    %broadcast_in_dim3A_168 = vector.broadcast %broadcast_in_dim3A_167 : f32 to vector<16xf32>
    %swap3A_169 = arith.constant 320 : index
    %swap3A_170 = tpu.vector_load %arg9[%swap3A_169] {strides = array<i32>} : memref<512xf32, #tpu.memory_space<vmem>>, vector<16xf32>,
    %swap3A_171 = vector.shape_cast %swap3A_170 : vector<16xf32> to vector<16xf32>
    %swap3A_172 = vector.shape_cast %broadcast_in_dim3A_168 : vector<16xf32> to vector<16xf32>
    tpu.vector_store %arg9[%swap3A_169], %swap3A_172 {strides = array<i32>} : memref<512xf32, #tpu.memory_space<vmem>>, vector<16xf32>,
    %broadcast_in_dim3A_173 = arith.constant 0.000000e+00 : f32
    %broadcast_in_dim3A_174 = vector.broadcast %broadcast_in_dim3A_173 : f32 to vector<16xf32>
    %swap3A_175 = arith.constant 336 : index
    %swap3A_176 = tpu.vector_load %arg9[%swap3A_175] {strides = array<i32>} : memref<512xf32, #tpu.memory_space<vmem>>, vector<16xf32>,
    %swap3A_177 = vector.shape_cast %swap3A_176 : vector<16xf32> to vector<16xf32>
    %swap3A_178 = vector.shape_cast %broadcast_in_dim3A_174 : vector<16xf32> to vector<16xf32>
    tpu.vector_store %arg9[%swap3A_175], %swap3A_178 {strides = array<i32>} : memref<512xf32, #tpu.memory_space<vmem>>, vector<16xf32>,
    %broadcast_in_dim3A_179 = arith.constant 0.000000e+00 : f32
    %broadcast_in_dim3A_180 = vector.broadcast %broadcast_in_dim3A_179 : f32 to vector<16xf32>
    %swap3A_181 = arith.constant 352 : index
    %swap3A_182 = tpu.vector_load %arg9[%swap3A_181] {strides = array<i32>} : memref<512xf32, #tpu.memory_space<vmem>>, vector<16xf32>,
    %swap3A_183 = vector.shape_cast %swap3A_182 : vector<16xf32> to vector<16xf32>
    %swap3A_184 = vector.shape_cast %broadcast_in_dim3A_180 : vector<16xf32> to vector<16xf32>
    tpu.vector_store %arg9[%swap3A_181], %swap3A_184 {strides = array<i32>} : memref<512xf32, #tpu.memory_space<vmem>>, vector<16xf32>,
    %broadcast_in_dim3A_185 = arith.constant 0.000000e+00 : f32
    %broadcast_in_dim3A_186 = vector.broadcast %broadcast_in_dim3A_185 : f32 to vector<16xf32>
    %swap3A_187 = arith.constant 368 : index
    %swap3A_188 = tpu.vector_load %arg9[%swap3A_187] {strides = array<i32>} : memref<512xf32, #tpu.memory_space<vmem>>, vector<16xf32>,
    %swap3A_189 = vector.shape_cast %swap3A_188 : vector<16xf32> to vector<16xf32>
    %swap3A_190 = vector.shape_cast %broadcast_in_dim3A_186 : vector<16xf32> to vector<16xf32>
    tpu.vector_store %arg9[%swap3A_187], %swap3A_190 {strides = array<i32>} : memref<512xf32, #tpu.memory_space<vmem>>, vector<16xf32>,
    %broadcast_in_dim3A_191 = arith.constant 0.000000e+00 : f32
    %broadcast_in_dim3A_192 = vector.broadcast %broadcast_in_dim3A_191 : f32 to vector<16xf32>
    %swap3A_193 = arith.constant 384 : index
    %swap3A_194 = tpu.vector_load %arg9[%swap3A_193] {strides = array<i32>} : memref<512xf32, #tpu.memory_space<vmem>>, vector<16xf32>,
    %swap3A_195 = vector.shape_cast %swap3A_194 : vector<16xf32> to vector<16xf32>
    %swap3A_196 = vector.shape_cast %broadcast_in_dim3A_192 : vector<16xf32> to vector<16xf32>
    tpu.vector_store %arg9[%swap3A_193], %swap3A_196 {strides = array<i32>} : memref<512xf32, #tpu.memory_space<vmem>>, vector<16xf32>,
    %broadcast_in_dim3A_197 = arith.constant 0.000000e+00 : f32
    %broadcast_in_dim3A_198 = vector.broadcast %broadcast_in_dim3A_197 : f32 to vector<16xf32>
    %swap3A_199 = arith.constant 400 : index
    %swap3A_200 = tpu.vector_load %arg9[%swap3A_199] {strides = array<i32>} : memref<512xf32, #tpu.memory_space<vmem>>, vector<16xf32>,
    %swap3A_201 = vector.shape_cast %swap3A_200 : vector<16xf32> to vector<16xf32>
    %swap3A_202 = vector.shape_cast %broadcast_in_dim3A_198 : vector<16xf32> to vector<16xf32>
    tpu.vector_store %arg9[%swap3A_199], %swap3A_202 {strides = array<i32>} : memref<512xf32, #tpu.memory_space<vmem>>, vector<16xf32>,
    %broadcast_in_dim3A_203 = arith.constant 0.000000e+00 : f32
    %broadcast_in_dim3A_204 = vector.broadcast %broadcast_in_dim3A_203 : f32 to vector<16xf32>
    %swap3A_205 = arith.constant 416 : index
    %swap3A_206 = tpu.vector_load %arg9[%swap3A_205] {strides = array<i32>} : memref<512xf32, #tpu.memory_space<vmem>>, vector<16xf32>,
    %swap3A_207 = vector.shape_cast %swap3A_206 : vector<16xf32> to vector<16xf32>
    %swap3A_208 = vector.shape_cast %broadcast_in_dim3A_204 : vector<16xf32> to vector<16xf32>
    tpu.vector_store %arg9[%swap3A_205], %swap3A_208 {strides = array<i32>} : memref<512xf32, #tpu.memory_space<vmem>>, vector<16xf32>,
    %broadcast_in_dim3A_209 = arith.constant 0.000000e+00 : f32
    %broadcast_in_dim3A_210 = vector.broadcast %broadcast_in_dim3A_209 : f32 to vector<16xf32>
    %swap3A_211 = arith.constant 432 : index
    %swap3A_212 = tpu.vector_load %arg9[%swap3A_211] {strides = array<i32>} : memref<512xf32, #tpu.memory_space<vmem>>, vector<16xf32>,
    %swap3A_213 = vector.shape_cast %swap3A_212 : vector<16xf32> to vector<16xf32>
    %swap3A_214 = vector.shape_cast %broadcast_in_dim3A_210 : vector<16xf32> to vector<16xf32>
    tpu.vector_store %arg9[%swap3A_211], %swap3A_214 {strides = array<i32>} : memref<512xf32, #tpu.memory_space<vmem>>, vector<16xf32>,
    %broadcast_in_dim3A_215 = arith.constant 0.000000e+00 : f32
    %broadcast_in_dim3A_216 = vector.broadcast %broadcast_in_dim3A_215 : f32 to vector<16xf32>
    %swap3A_217 = arith.constant 448 : index
    %swap3A_218 = tpu.vector_load %arg9[%swap3A_217] {strides = array<i32>} : memref<512xf32, #tpu.memory_space<vmem>>, vector<16xf32>,
    %swap3A_219 = vector.shape_cast %swap3A_218 : vector<16xf32> to vector<16xf32>
    %swap3A_220 = vector.shape_cast %broadcast_in_dim3A_216 : vector<16xf32> to vector<16xf32>
    tpu.vector_store %arg9[%swap3A_217], %swap3A_220 {strides = array<i32>} : memref<512xf32, #tpu.memory_space<vmem>>, vector<16xf32>,
    %broadcast_in_dim3A_221 = arith.constant 0.000000e+00 : f32
    %broadcast_in_dim3A_222 = vector.broadcast %broadcast_in_dim3A_221 : f32 to vector<16xf32>
    %swap3A_223 = arith.constant 464 : index
    %swap3A_224 = tpu.vector_load %arg9[%swap3A_223] {strides = array<i32>} : memref<512xf32, #tpu.memory_space<vmem>>, vector<16xf32>,
    %swap3A_225 = vector.shape_cast %swap3A_224 : vector<16xf32> to vector<16xf32>
    %swap3A_226 = vector.shape_cast %broadcast_in_dim3A_222 : vector<16xf32> to vector<16xf32>
    tpu.vector_store %arg9[%swap3A_223], %swap3A_226 {strides = array<i32>} : memref<512xf32, #tpu.memory_space<vmem>>, vector<16xf32>,
    %broadcast_in_dim3A_227 = arith.constant 0.000000e+00 : f32
    %broadcast_in_dim3A_228 = vector.broadcast %broadcast_in_dim3A_227 : f32 to vector<16xf32>
    %swap3A_229 = arith.constant 480 : index
    %swap3A_230 = tpu.vector_load %arg9[%swap3A_229] {strides = array<i32>} : memref<512xf32, #tpu.memory_space<vmem>>, vector<16xf32>,
    %swap3A_231 = vector.shape_cast %swap3A_230 : vector<16xf32> to vector<16xf32>
    %swap3A_232 = vector.shape_cast %broadcast_in_dim3A_228 : vector<16xf32> to vector<16xf32>
    tpu.vector_store %arg9[%swap3A_229], %swap3A_232 {strides = array<i32>} : memref<512xf32, #tpu.memory_space<vmem>>, vector<16xf32>,
    %broadcast_in_dim3A_233 = arith.constant 0.000000e+00 : f32
    %broadcast_in_dim3A_234 = vector.broadcast %broadcast_in_dim3A_233 : f32 to vector<16xf32>
    %swap3A_235 = arith.constant 496 : index
    %swap3A_236 = tpu.vector_load %arg9[%swap3A_235] {strides = array<i32>} : memref<512xf32, #tpu.memory_space<vmem>>, vector<16xf32>,
    %swap3A_237 = vector.shape_cast %swap3A_236 : vector<16xf32> to vector<16xf32>
    %swap3A_238 = vector.shape_cast %broadcast_in_dim3A_234 : vector<16xf32> to vector<16xf32>
    tpu.vector_store %arg9[%swap3A_235], %swap3A_238 {strides = array<i32>} : memref<512xf32, #tpu.memory_space<vmem>>, vector<16xf32>,
    %mul3A_239 = arith.constant 512 : i32
    %mul3A_240 = arith.muli %arg1, %mul3A_239 : i32
    "tpu.region"() ({
      %run_scoped3A_295 = tpu.sem_alloc : memref<!tpu.dma_semaphore, #tpu.memory_space<semaphore_mem>>
      %dma_start3A_296 = tpu.memref_slice %arg10[%mul3A_240] : memref<8192xf32, #tpu.memory_space<vmem_shared>> -> memref<512xf32, #tpu.memory_space<vmem_shared>>
      %dma_start3A_297 = tpu.memref_slice %arg10[%mul3A_240] : memref<8192xf32, #tpu.memory_space<vmem_shared>> -> memref<512xf32, #tpu.memory_space<vmem_shared>>
      tpu.enqueue_dma source(%arg9 : memref<512xf32, #tpu.memory_space<vmem>>) target(%dma_start3A_297 : memref<512xf32, #tpu.memory_space<vmem_shared>>) target_semaphore(%run_scoped3A_295 : memref<!tpu.dma_semaphore, #tpu.memory_space<semaphore_mem>>)
      %dma_wait3A_298 = tpu.memref_slice %arg10[%mul3A_240] : memref<8192xf32, #tpu.memory_space<vmem_shared>> -> memref<512xf32, #tpu.memory_space<vmem_shared>>
      %dma_wait3A_299 = tpu.memref_slice %arg10[%mul3A_240] : memref<8192xf32, #tpu.memory_space<vmem_shared>> -> memref<512xf32, #tpu.memory_space<vmem_shared>>
      tpu.wait_dma2 semaphore(%run_scoped3A_295 : memref<!tpu.dma_semaphore, #tpu.memory_space<semaphore_mem>>) src(%arg9 : memref<512xf32, #tpu.memory_space<vmem>>) dst(%dma_wait3A_299 : memref<512xf32, #tpu.memory_space<vmem_shared>>)
      tpu.yield
    }) : () -> ()
    %barrier3A = arith.constant 0 : index
    tpu.barrier barrier_id(%barrier3A)
    %mul3A_241 = arith.constant 2 : i32
    %mul3A_242 = arith.muli %mul3A_241, %add3A : i32
    "tpu.region"() ({
      %run_scoped3A_295 = tpu.sem_alloc : memref<!tpu.dma_semaphore, #tpu.memory_space<semaphore_mem>>
      %dma_start3A_296 = arith.constant 0 : i32
      %dma_start3A_297 = tpu.memref_slice %arg2[%mul3A_242, %dma_start3A_296] : memref<64x128xi32, #tpu.memory_space<hbm>> -> memref<2x128xi32, #tpu.memory_space<hbm>>
      %dma_start3A_298 = arith.constant 0 : i32
      %dma_start3A_299 = tpu.memref_slice %arg2[%mul3A_242, %dma_start3A_298] : memref<64x128xi32, #tpu.memory_space<hbm>> -> memref<2x128xi32, #tpu.memory_space<hbm>>
      tpu.enqueue_dma source(%dma_start3A_299 : memref<2x128xi32, #tpu.memory_space<hbm>>) target(%arg6 : memref<2x128xi32, #tpu.memory_space<vmem>>) target_semaphore(%run_scoped3A_295 : memref<!tpu.dma_semaphore, #tpu.memory_space<semaphore_mem>>)
      %dma_wait3A_300 = arith.constant 0 : i32
      %dma_wait3A_301 = tpu.memref_slice %arg2[%mul3A_242, %dma_wait3A_300] : memref<64x128xi32, #tpu.memory_space<hbm>> -> memref<2x128xi32, #tpu.memory_space<hbm>>
      %dma_wait3A_302 = arith.constant 0 : i32
      %dma_wait3A_303 = tpu.memref_slice %arg2[%mul3A_242, %dma_wait3A_302] : memref<64x128xi32, #tpu.memory_space<hbm>> -> memref<2x128xi32, #tpu.memory_space<hbm>>
      tpu.wait_dma2 semaphore(%run_scoped3A_295 : memref<!tpu.dma_semaphore, #tpu.memory_space<semaphore_mem>>) src(%dma_wait3A_303 : memref<2x128xi32, #tpu.memory_space<hbm>>) dst(%arg6 : memref<2x128xi32, #tpu.memory_space<vmem>>)
      tpu.yield
    }) : () -> ()
    %dma_start3A = arith.constant 0 : i32
    %dma_start3A_243 = arith.constant 0 : i32
    %dma_start3A_244 = arith.constant 0 : i32
    %dma_start3A_245 = arith.constant 0 : i32
    %dma_start3A_246 = tpu.memref_slice %arg7[%dma_start3A_243, %dma_start3A_244, %dma_start3A_245] : memref<2x128x32xf32, #tpu.memory_space<vmem>> -> memref<1x128x32xf32, #tpu.memory_space<vmem>>
    %dma_start3A_247 = tpu.memref_squeeze %dma_start3A_246 : memref<1x128x32xf32, #tpu.memory_space<vmem>> -> memref<128x32xf32, #tpu.memory_space<vmem>>
    %dma_start3A_248 = arith.constant 0 : i32
    %dma_start3A_249 = tpu.memref_slice %arg6[%dma_start3A, %dma_start3A_248] : memref<2x128xi32, #tpu.memory_space<vmem>> -> memref<1x128xi32, #tpu.memory_space<vmem>>
    %dma_start3A_250 = tpu.memref_squeeze %dma_start3A_249 : memref<1x128xi32, #tpu.memory_space<vmem>> -> memref<128xi32, #tpu.memory_space<vmem>>
    %dma_start3A_251 = arith.constant 0 : i32
    %dma_start3A_252 = arith.constant 0 : i32
    %dma_start3A_253 = tpu.memref_slice %arg3[%dma_start3A_251, %dma_start3A_252] : memref<8192x32xf32, #tpu.memory_space<hbm>> -> memref<8192x32xf32, #tpu.memory_space<hbm>>
    tpu.enqueue_indirect_dma source(%dma_start3A_253 : memref<8192x32xf32, #tpu.memory_space<hbm>>) target(%dma_start3A_247 : memref<128x32xf32, #tpu.memory_space<vmem>>) offsets(%dma_start3A_250 : memref<128xi32, #tpu.memory_space<vmem>>) semaphore(%arg11 : memref<!tpu.dma_semaphore, #tpu.memory_space<semaphore_mem>>)
    %dma_start3A_254 = arith.constant 1 : i32
    %dma_start3A_255 = arith.constant 1 : i32
    %dma_start3A_256 = arith.constant 0 : i32
    %dma_start3A_257 = arith.constant 0 : i32
    %dma_start3A_258 = tpu.memref_slice %arg7[%dma_start3A_255, %dma_start3A_256, %dma_start3A_257] : memref<2x128x32xf32, #tpu.memory_space<vmem>> -> memref<1x128x32xf32, #tpu.memory_space<vmem>>
    %dma_start3A_259 = tpu.memref_squeeze %dma_start3A_258 : memref<1x128x32xf32, #tpu.memory_space<vmem>> -> memref<128x32xf32, #tpu.memory_space<vmem>>
    %dma_start3A_260 = arith.constant 0 : i32
    %dma_start3A_261 = tpu.memref_slice %arg6[%dma_start3A_254, %dma_start3A_260] : memref<2x128xi32, #tpu.memory_space<vmem>> -> memref<1x128xi32, #tpu.memory_space<vmem>>
    %dma_start3A_262 = tpu.memref_squeeze %dma_start3A_261 : memref<1x128xi32, #tpu.memory_space<vmem>> -> memref<128xi32, #tpu.memory_space<vmem>>
    %dma_start3A_263 = arith.constant 0 : i32
    %dma_start3A_264 = arith.constant 0 : i32
    %dma_start3A_265 = tpu.memref_slice %arg3[%dma_start3A_263, %dma_start3A_264] : memref<8192x32xf32, #tpu.memory_space<hbm>> -> memref<8192x32xf32, #tpu.memory_space<hbm>>
    tpu.enqueue_indirect_dma source(%dma_start3A_265 : memref<8192x32xf32, #tpu.memory_space<hbm>>) target(%dma_start3A_259 : memref<128x32xf32, #tpu.memory_space<vmem>>) offsets(%dma_start3A_262 : memref<128xi32, #tpu.memory_space<vmem>>) semaphore(%arg11 : memref<!tpu.dma_semaphore, #tpu.memory_space<semaphore_mem>>)
    %run_scoped3A = arith.constant 0 : i32
    "tpu.region"() ({
      %run_scoped3A_295 = tpu.sem_alloc : memref<!tpu.dma_semaphore, #tpu.memory_space<semaphore_mem>>
      %dma_start3A_296 = arith.constant 0 : i32
      %dma_start3A_297 = tpu.memref_slice %arg6[%run_scoped3A, %dma_start3A_296] : memref<2x128xi32, #tpu.memory_space<vmem>> -> memref<1x128xi32, #tpu.memory_space<vmem>>
      %dma_start3A_298 = tpu.memref_squeeze %dma_start3A_297 : memref<1x128xi32, #tpu.memory_space<vmem>> -> memref<128xi32, #tpu.memory_space<vmem>>
      %dma_start3A_299 = arith.constant 0 : i32
      %dma_start3A_300 = tpu.memref_slice %arg10[%dma_start3A_299] : memref<8192xf32, #tpu.memory_space<vmem_shared>> -> memref<8192xf32, #tpu.memory_space<vmem_shared>>
      tpu.enqueue_indirect_dma source(%arg8 : memref<128xf32, #tpu.memory_space<vmem>>) target(%dma_start3A_300 : memref<8192xf32, #tpu.memory_space<vmem_shared>>) offsets(%dma_start3A_298 : memref<128xi32, #tpu.memory_space<vmem>>) semaphore(%run_scoped3A_295 : memref<!tpu.dma_semaphore, #tpu.memory_space<semaphore_mem>>) {add = true}
      %dma_wait3A_301 = arith.constant 0 : i32
      %dma_wait3A_302 = tpu.memref_slice %arg6[%run_scoped3A, %dma_wait3A_301] : memref<2x128xi32, #tpu.memory_space<vmem>> -> memref<1x128xi32, #tpu.memory_space<vmem>>
      %dma_wait3A_303 = tpu.memref_squeeze %dma_wait3A_302 : memref<1x128xi32, #tpu.memory_space<vmem>> -> memref<128xi32, #tpu.memory_space<vmem>>
      %dma_wait3A_304 = arith.constant 0 : i32
      %dma_wait3A_305 = tpu.memref_slice %arg10[%dma_wait3A_304] : memref<8192xf32, #tpu.memory_space<vmem_shared>> -> memref<8192xf32, #tpu.memory_space<vmem_shared>>
      tpu.wait_indirect_dma semaphore(%run_scoped3A_295 : memref<!tpu.dma_semaphore, #tpu.memory_space<semaphore_mem>>) src(%arg8 : memref<128xf32, #tpu.memory_space<vmem>>) dst(%dma_wait3A_305 : memref<8192xf32, #tpu.memory_space<vmem_shared>>)
      tpu.yield
    }) : () -> ()
    %run_scoped3A_266 = arith.constant 1 : i32
    "tpu.region"() ({
      %run_scoped3A_295 = tpu.sem_alloc : memref<!tpu.dma_semaphore, #tpu.memory_space<semaphore_mem>>
      %dma_start3A_296 = arith.constant 0 : i32
      %dma_start3A_297 = tpu.memref_slice %arg6[%run_scoped3A_266, %dma_start3A_296] : memref<2x128xi32, #tpu.memory_space<vmem>> -> memref<1x128xi32, #tpu.memory_space<vmem>>
      %dma_start3A_298 = tpu.memref_squeeze %dma_start3A_297 : memref<1x128xi32, #tpu.memory_space<vmem>> -> memref<128xi32, #tpu.memory_space<vmem>>
      %dma_start3A_299 = arith.constant 0 : i32
      %dma_start3A_300 = tpu.memref_slice %arg10[%dma_start3A_299] : memref<8192xf32, #tpu.memory_space<vmem_shared>> -> memref<8192xf32, #tpu.memory_space<vmem_shared>>
      tpu.enqueue_indirect_dma source(%arg8 : memref<128xf32, #tpu.memory_space<vmem>>) target(%dma_start3A_300 : memref<8192xf32, #tpu.memory_space<vmem_shared>>) offsets(%dma_start3A_298 : memref<128xi32, #tpu.memory_space<vmem>>) semaphore(%run_scoped3A_295 : memref<!tpu.dma_semaphore, #tpu.memory_space<semaphore_mem>>) {add = true}
      %dma_wait3A_301 = arith.constant 0 : i32
      %dma_wait3A_302 = tpu.memref_slice %arg6[%run_scoped3A_266, %dma_wait3A_301] : memref<2x128xi32, #tpu.memory_space<vmem>> -> memref<1x128xi32, #tpu.memory_space<vmem>>
      %dma_wait3A_303 = tpu.memref_squeeze %dma_wait3A_302 : memref<1x128xi32, #tpu.memory_space<vmem>> -> memref<128xi32, #tpu.memory_space<vmem>>
      %dma_wait3A_304 = arith.constant 0 : i32
      %dma_wait3A_305 = tpu.memref_slice %arg10[%dma_wait3A_304] : memref<8192xf32, #tpu.memory_space<vmem_shared>> -> memref<8192xf32, #tpu.memory_space<vmem_shared>>
      tpu.wait_indirect_dma semaphore(%run_scoped3A_295 : memref<!tpu.dma_semaphore, #tpu.memory_space<semaphore_mem>>) src(%arg8 : memref<128xf32, #tpu.memory_space<vmem>>) dst(%dma_wait3A_305 : memref<8192xf32, #tpu.memory_space<vmem_shared>>)
      tpu.yield
    }) : () -> ()
    %dma_wait3A = arith.constant 0 : i32
    %dma_wait3A_267 = arith.constant 0 : i32
    %dma_wait3A_268 = arith.constant 0 : i32
    %dma_wait3A_269 = arith.constant 0 : i32
    %dma_wait3A_270 = tpu.memref_slice %arg7[%dma_wait3A_267, %dma_wait3A_268, %dma_wait3A_269] : memref<2x128x32xf32, #tpu.memory_space<vmem>> -> memref<1x128x32xf32, #tpu.memory_space<vmem>>
    %dma_wait3A_271 = tpu.memref_squeeze %dma_wait3A_270 : memref<1x128x32xf32, #tpu.memory_space<vmem>> -> memref<128x32xf32, #tpu.memory_space<vmem>>
    %dma_wait3A_272 = arith.constant 0 : i32
    %dma_wait3A_273 = tpu.memref_slice %arg6[%dma_wait3A, %dma_wait3A_272] : memref<2x128xi32, #tpu.memory_space<vmem>> -> memref<1x128xi32, #tpu.memory_space<vmem>>
    %dma_wait3A_274 = tpu.memref_squeeze %dma_wait3A_273 : memref<1x128xi32, #tpu.memory_space<vmem>> -> memref<128xi32, #tpu.memory_space<vmem>>
    %dma_wait3A_275 = arith.constant 0 : i32
    %dma_wait3A_276 = arith.constant 0 : i32
    %dma_wait3A_277 = tpu.memref_slice %arg3[%dma_wait3A_275, %dma_wait3A_276] : memref<8192x32xf32, #tpu.memory_space<hbm>> -> memref<8192x32xf32, #tpu.memory_space<hbm>>
    tpu.wait_indirect_dma semaphore(%arg11 : memref<!tpu.dma_semaphore, #tpu.memory_space<semaphore_mem>>) src(%dma_wait3A_277 : memref<8192x32xf32, #tpu.memory_space<hbm>>) dst(%dma_wait3A_271 : memref<128x32xf32, #tpu.memory_space<vmem>>)
    %dma_wait3A_278 = arith.constant 1 : i32
    %dma_wait3A_279 = arith.constant 1 : i32
    %dma_wait3A_280 = arith.constant 0 : i32
    %dma_wait3A_281 = arith.constant 0 : i32
    %dma_wait3A_282 = tpu.memref_slice %arg7[%dma_wait3A_279, %dma_wait3A_280, %dma_wait3A_281] : memref<2x128x32xf32, #tpu.memory_space<vmem>> -> memref<1x128x32xf32, #tpu.memory_space<vmem>>
    %dma_wait3A_283 = tpu.memref_squeeze %dma_wait3A_282 : memref<1x128x32xf32, #tpu.memory_space<vmem>> -> memref<128x32xf32, #tpu.memory_space<vmem>>
    %dma_wait3A_284 = arith.constant 0 : i32
    %dma_wait3A_285 = tpu.memref_slice %arg6[%dma_wait3A_278, %dma_wait3A_284] : memref<2x128xi32, #tpu.memory_space<vmem>> -> memref<1x128xi32, #tpu.memory_space<vmem>>
    %dma_wait3A_286 = tpu.memref_squeeze %dma_wait3A_285 : memref<1x128xi32, #tpu.memory_space<vmem>> -> memref<128xi32, #tpu.memory_space<vmem>>
    %dma_wait3A_287 = arith.constant 0 : i32
    %dma_wait3A_288 = arith.constant 0 : i32
    %dma_wait3A_289 = tpu.memref_slice %arg3[%dma_wait3A_287, %dma_wait3A_288] : memref<8192x32xf32, #tpu.memory_space<hbm>> -> memref<8192x32xf32, #tpu.memory_space<hbm>>
    tpu.wait_indirect_dma semaphore(%arg11 : memref<!tpu.dma_semaphore, #tpu.memory_space<semaphore_mem>>) src(%dma_wait3A_289 : memref<8192x32xf32, #tpu.memory_space<hbm>>) dst(%dma_wait3A_283 : memref<128x32xf32, #tpu.memory_space<vmem>>)
    %mul3A_290 = arith.constant 2 : i32
    %mul3A_291 = arith.muli %mul3A_290, %add3A : i32
    "tpu.region"() ({
      %run_scoped3A_295 = tpu.sem_alloc : memref<!tpu.dma_semaphore, #tpu.memory_space<semaphore_mem>>
      %dma_start3A_296 = arith.constant 0 : i32
      %dma_start3A_297 = arith.constant 0 : i32
      %dma_start3A_298 = tpu.memref_slice %arg4[%mul3A_291, %dma_start3A_296, %dma_start3A_297] : memref<64x128x32xf32, #tpu.memory_space<hbm>> -> memref<2x128x32xf32, #tpu.memory_space<hbm>>
      %dma_start3A_299 = arith.constant 0 : i32
      %dma_start3A_300 = arith.constant 0 : i32
      %dma_start3A_301 = tpu.memref_slice %arg4[%mul3A_291, %dma_start3A_299, %dma_start3A_300] : memref<64x128x32xf32, #tpu.memory_space<hbm>> -> memref<2x128x32xf32, #tpu.memory_space<hbm>>
      tpu.enqueue_dma source(%arg7 : memref<2x128x32xf32, #tpu.memory_space<vmem>>) target(%dma_start3A_301 : memref<2x128x32xf32, #tpu.memory_space<hbm>>) target_semaphore(%run_scoped3A_295 : memref<!tpu.dma_semaphore, #tpu.memory_space<semaphore_mem>>)
      %dma_wait3A_302 = arith.constant 0 : i32
      %dma_wait3A_303 = arith.constant 0 : i32
      %dma_wait3A_304 = tpu.memref_slice %arg4[%mul3A_291, %dma_wait3A_302, %dma_wait3A_303] : memref<64x128x32xf32, #tpu.memory_space<hbm>> -> memref<2x128x32xf32, #tpu.memory_space<hbm>>
      %dma_wait3A_305 = arith.constant 0 : i32
      %dma_wait3A_306 = arith.constant 0 : i32
      %dma_wait3A_307 = tpu.memref_slice %arg4[%mul3A_291, %dma_wait3A_305, %dma_wait3A_306] : memref<64x128x32xf32, #tpu.memory_space<hbm>> -> memref<2x128x32xf32, #tpu.memory_space<hbm>>
      tpu.wait_dma2 semaphore(%run_scoped3A_295 : memref<!tpu.dma_semaphore, #tpu.memory_space<semaphore_mem>>) src(%arg7 : memref<2x128x32xf32, #tpu.memory_space<vmem>>) dst(%dma_wait3A_307 : memref<2x128x32xf32, #tpu.memory_space<hbm>>)
      tpu.yield
    }) : () -> ()
    %barrier3A_292 = arith.constant 0 : index
    tpu.barrier barrier_id(%barrier3A_292)
    %eq3A = arith.constant 0 : i32
    %eq3A_293 = arith.cmpi eq, %arg1, %eq3A : i32
    %convert_element_type3A = arith.extui %eq3A_293 : i1 to i32
    %cond3A = arith.constant 0 : i32
    %cond3A_294 = arith.cmpi ne, %convert_element_type3A, %cond3A : i32
    scf.if %cond3A_294 {
      "tpu.region"() ({
        %run_scoped3A_295 = tpu.sem_alloc : memref<!tpu.dma_semaphore, #tpu.memory_space<semaphore_mem>>
        %dma_start3A_296 = arith.constant 0 : i32
        %dma_start3A_297 = tpu.memref_slice %arg5[%arg0, %dma_start3A_296] : memref<2x8192xf32, #tpu.memory_space<hbm>> -> memref<1x8192xf32, #tpu.memory_space<hbm>>
        %dma_start3A_298 = tpu.memref_squeeze %dma_start3A_297 : memref<1x8192xf32, #tpu.memory_space<hbm>> -> memref<8192xf32, #tpu.memory_space<hbm>>
        tpu.enqueue_dma source(%arg10 : memref<8192xf32, #tpu.memory_space<vmem_shared>>) target(%dma_start3A_298 : memref<8192xf32, #tpu.memory_space<hbm>>) target_semaphore(%run_scoped3A_295 : memref<!tpu.dma_semaphore, #tpu.memory_space<semaphore_mem>>)
        %dma_wait3A_299 = arith.constant 0 : i32
        %dma_wait3A_300 = tpu.memref_slice %arg5[%arg0, %dma_wait3A_299] : memref<2x8192xf32, #tpu.memory_space<hbm>> -> memref<1x8192xf32, #tpu.memory_space<hbm>>
        %dma_wait3A_301 = tpu.memref_squeeze %dma_wait3A_300 : memref<1x8192xf32, #tpu.memory_space<hbm>> -> memref<8192xf32, #tpu.memory_space<hbm>>
        tpu.wait_dma2 semaphore(%run_scoped3A_295 : memref<!tpu.dma_semaphore, #tpu.memory_space<semaphore_mem>>) src(%arg10 : memref<8192xf32, #tpu.memory_space<vmem_shared>>) dst(%dma_wait3A_301 : memref<8192xf32, #tpu.memory_space<hbm>>)
        tpu.yield
      }) : () -> ()
    } else {
    }
    return
  }
}

module attributes {stable_mosaic.version = 14 : i64} {
  func.func @_k3_body(%arg0: memref<8192x32xf32, #tpu.memory_space<vmem>>, %arg1: memref<8192x32xf32, #tpu.memory_space<vmem>>, %arg2: memref<2x8192xf32, #tpu.memory_space<vmem>>, %arg3: memref<8192x32xf32, #tpu.memory_space<vmem>>, %arg4: memref<1x1xf32, #tpu.memory_space<vmem>>, %arg5: memref<1x1xf32, #tpu.memory_space<vmem>>) attributes {dimension_semantics = [], scalar_prefetch = 0 : i64, scratch_operands = 0 : i64, tpu.core_type = #tpu.core_type<tc>} {
    %get3A = arith.constant 0 : index
    %get3A_0 = arith.constant 0 : index
    %get3A_1 = vector.load %arg0[%get3A, %get3A_0] : memref<8192x32xf32, #tpu.memory_space<vmem>>, vector<8192x32xf32>
    %get3A_2 = arith.constant 0 : index
    %get3A_3 = arith.constant 0 : index
    %get3A_4 = vector.load %arg1[%get3A_2, %get3A_3] : memref<8192x32xf32, #tpu.memory_space<vmem>>, vector<8192x32xf32>
    %sub3A = arith.subf %get3A_4, %get3A_1 : vector<8192x32xf32>
    %add3A = arith.addf %get3A_1, %sub3A : vector<8192x32xf32>
    %swap3A = arith.constant 0 : index
    %swap3A_5 = arith.constant 0 : index
    %swap3A_6 = vector.load %arg3[%swap3A, %swap3A_5] : memref<8192x32xf32, #tpu.memory_space<vmem>>, vector<8192x32xf32>
    tpu.vector_store %arg3[%swap3A, %swap3A_5], %add3A {strides = array<i32>} : memref<8192x32xf32, #tpu.memory_space<vmem>>, vector<8192x32xf32>,
    %mul3A = arith.mulf %sub3A, %sub3A : vector<8192x32xf32>
    %reduce_sum3A = vector.shape_cast %mul3A : vector<8192x32xf32> to vector<1x8192x32xf32>
    %reduce_sum3A_7 = arith.constant dense<0.000000e+00> : vector<1xf32>
    %reduce_sum3A_8 = vector.multi_reduction <add>, %reduce_sum3A, %reduce_sum3A_7 [1, 2] : vector<1x8192x32xf32> to vector<1xf32>
    %reduce_sum3A_9 = vector.shape_cast %reduce_sum3A_8 : vector<1xf32> to vector<1x1x1xf32>
    %reduce_sum3A_10 = vector.extract %reduce_sum3A_9[0, 0, 0] : f32 from vector<1x1x1xf32>
    %mul3A_11 = arith.constant 3.81469727E-6 : f32
    %mul3A_12 = arith.mulf %reduce_sum3A_10, %mul3A_11 : f32
    %mul3A_13 = arith.constant 1.000000e-01 : f32
    %mul3A_14 = arith.mulf %mul3A_13, %mul3A_12 : f32
    %add3A_15 = arith.addf %mul3A_12, %mul3A_14 : f32
    %reshape3A = vector.broadcast %add3A_15 : f32 to vector<1x1xf32>
    %swap3A_16 = arith.constant 0 : index
    %swap3A_17 = arith.constant 0 : index
    %swap3A_18 = vector.load %arg4[%swap3A_16, %swap3A_17] : memref<1x1xf32, #tpu.memory_space<vmem>>, vector<1x1xf32>
    tpu.vector_store %arg4[%swap3A_16, %swap3A_17], %reshape3A {strides = array<i32>} : memref<1x1xf32, #tpu.memory_space<vmem>>, vector<1x1xf32>,
    %get3A_19 = arith.constant 0 : index
    %get3A_20 = arith.constant 0 : index
    %get3A_21 = vector.load %arg2[%get3A_19, %get3A_20] : memref<2x8192xf32, #tpu.memory_space<vmem>>, vector<1x8192xf32>
    %get3A_22 = arith.constant 1 : index
    %get3A_23 = arith.constant 0 : index
    %get3A_24 = vector.load %arg2[%get3A_22, %get3A_23] : memref<2x8192xf32, #tpu.memory_space<vmem>>, vector<1x8192xf32>
    %add3A_25 = arith.addf %get3A_21, %get3A_24 : vector<1x8192xf32>
    %mul3A_26 = arith.constant 1.22070313E-4 : f32
    %mul3A_27 = vector.broadcast %mul3A_26 : f32 to vector<1x8192xf32>
    %mul3A_28 = arith.mulf %add3A_25, %mul3A_27 : vector<1x8192xf32>
    %add3A_29 = arith.constant 1.1920929E-7 : f32
    %add3A_30 = vector.broadcast %add3A_29 : f32 to vector<1x8192xf32>
    %add3A_31 = arith.addf %mul3A_28, %add3A_30 : vector<1x8192xf32>
    %log3A = math.log %add3A_31 : vector<1x8192xf32>
    %mul3A_32 = arith.mulf %mul3A_28, %log3A : vector<1x8192xf32>
    %reduce_sum3A_33 = vector.shape_cast %mul3A_32 : vector<1x8192xf32> to vector<1x1x8192xf32>
    %reduce_sum3A_34 = arith.constant dense<0.000000e+00> : vector<1xf32>
    %reduce_sum3A_35 = vector.multi_reduction <add>, %reduce_sum3A_33, %reduce_sum3A_34 [1, 2] : vector<1x1x8192xf32> to vector<1xf32>
    %reduce_sum3A_36 = vector.shape_cast %reduce_sum3A_35 : vector<1xf32> to vector<1x1x1xf32>
    %reduce_sum3A_37 = vector.extract %reduce_sum3A_36[0, 0, 0] : f32 from vector<1x1x1xf32>
    %neg3A = arith.constant 0.000000e+00 : f32
    %neg3A_38 = arith.subf %neg3A, %reduce_sum3A_37 : f32
    %exp3A = math.exp %neg3A_38 : f32
    %reshape3A_39 = vector.broadcast %exp3A : f32 to vector<1x1xf32>
    %swap3A_40 = arith.constant 0 : index
    %swap3A_41 = arith.constant 0 : index
    %swap3A_42 = vector.load %arg5[%swap3A_40, %swap3A_41] : memref<1x1xf32, #tpu.memory_space<vmem>>, vector<1x1xf32>
    tpu.vector_store %arg5[%swap3A_40, %swap3A_41], %reshape3A_39 {strides = array<i32>} : memref<1x1xf32, #tpu.memory_space<vmem>>, vector<1x1xf32>,
    return
  }
}

module attributes {stable_mosaic.version = 14 : i64} {
  func.func @_k1_body(%arg0: i32, %arg1: memref<1024x32xf32, #tpu.memory_space<vmem>>, %arg2: memref<8192x32xf32, #tpu.memory_space<vmem>>, %arg3: memref<1x8192xf32, #tpu.memory_space<vmem>>, %arg4: memref<1x1x1024xi32, #tpu.memory_space<vmem>>) attributes {dimension_semantics = [#tpu.dimension_semantics<arbitrary>], iteration_bounds = array<i64: 8>, scalar_prefetch = 0 : i64, scratch_operands = 0 : i64, tpu.core_type = #tpu.core_type<tc>, window_params = [{transform_indices = @transform_0, window_bounds = array<i64: 1024, 32>}, {pipeline_mode = #tpu.pipeline_mode<synchronous>, transform_indices = @transform_1, window_bounds = array<i64: 8192, 32>}, {pipeline_mode = #tpu.pipeline_mode<synchronous>, transform_indices = @transform_2, window_bounds = array<i64: 1, 8192>}, {transform_indices = @transform_3, window_bounds = array<i64: 1, 1, 1024>}]} {
    %get3A = arith.constant 0 : index
    %get3A_0 = arith.constant 0 : index
    %get3A_1 = vector.load %arg1[%get3A, %get3A_0] : memref<1024x32xf32, #tpu.memory_space<vmem>>, vector<1024x32xf32>
    %mul3A = arith.constant -2.000000e+00 : f32
    %mul3A_2 = vector.broadcast %mul3A : f32 to vector<1024x32xf32>
    %mul3A_3 = arith.mulf %get3A_1, %mul3A_2 : vector<1024x32xf32>
    %convert_element_type3A = arith.truncf %mul3A_3 : vector<1024x32xf32> to vector<1024x32xbf16>
    %get3A_4 = arith.constant 0 : index
    %get3A_5 = arith.constant 0 : index
    %get3A_6 = vector.load %arg2[%get3A_4, %get3A_5] : memref<8192x32xf32, #tpu.memory_space<vmem>>, vector<8192x32xf32>
    %convert_element_type3A_7 = arith.truncf %get3A_6 : vector<8192x32xf32> to vector<8192x32xbf16>
    %dot_general3A = arith.constant dense<0.000000e+00> : vector<1024x8192xf32>
    %dot_general3A_8 = tpu.matmul %convert_element_type3A, %convert_element_type3A_7, %dot_general3A {dimension_numbers = #tpu.dot_dimension_numbers<[1], [1], [0], [0], [0, 0, 1, 0], [], []>, transpose_lhs_hint = false} : vector<1024x32xbf16>, vector<8192x32xbf16>, vector<1024x8192xf32> -> vector<1024x8192xf32>
    %mul3A_9 = arith.mulf %get3A_1, %get3A_1 : vector<1024x32xf32>
    %reduce_sum3A = arith.constant dense<0.000000e+00> : vector<1024xf32>
    %reduce_sum3A_10 = vector.multi_reduction <add>, %mul3A_9, %reduce_sum3A [1] : vector<1024x32xf32> to vector<1024xf32>
    %broadcast_in_dim3A = vector.shape_cast %reduce_sum3A_10 : vector<1024xf32> to vector<1024x1xf32>
    %get3A_11 = arith.constant 0 : index
    %get3A_12 = arith.constant 0 : index
    %get3A_13 = vector.load %arg3[%get3A_11, %get3A_12] : memref<1x8192xf32, #tpu.memory_space<vmem>>, vector<1x8192xf32>
    %iota3A = tpu.iota {dimensions = array<i32: 1>} : vector<1024x128xi32>
    %slice3A = vector.extract_strided_slice %get3A_13 {offsets = [0, 0], sizes = [1, 128], strides = [1, 1]} : vector<1x8192xf32> to vector<1x128xf32>
    %add3A = vector.broadcast %broadcast_in_dim3A : vector<1024x1xf32> to vector<1024x128xf32>
    %add3A_14 = vector.broadcast %slice3A : vector<1x128xf32> to vector<1024x128xf32>
    %add3A_15 = arith.addf %add3A, %add3A_14 : vector<1024x128xf32>
    %slice3A_16 = vector.extract_strided_slice %dot_general3A_8 {offsets = [0, 0], sizes = [1024, 128], strides = [1, 1]} : vector<1024x8192xf32> to vector<1024x128xf32>
    %add3A_17 = arith.addf %add3A_15, %slice3A_16 : vector<1024x128xf32>
    %add3A_18 = arith.constant 0 : i32
    %add3A_19 = vector.broadcast %add3A_18 : i32 to vector<1024x128xi32>
    %add3A_20 = arith.addi %iota3A, %add3A_19 : vector<1024x128xi32>
    %slice3A_21 = vector.extract_strided_slice %get3A_13 {offsets = [0, 128], sizes = [1, 128], strides = [1, 1]} : vector<1x8192xf32> to vector<1x128xf32>
    %add3A_22 = vector.broadcast %broadcast_in_dim3A : vector<1024x1xf32> to vector<1024x128xf32>
    %add3A_23 = vector.broadcast %slice3A_21 : vector<1x128xf32> to vector<1024x128xf32>
    %add3A_24 = arith.addf %add3A_22, %add3A_23 : vector<1024x128xf32>
    %slice3A_25 = vector.extract_strided_slice %dot_general3A_8 {offsets = [0, 128], sizes = [1024, 128], strides = [1, 1]} : vector<1024x8192xf32> to vector<1024x128xf32>
    %add3A_26 = arith.addf %add3A_24, %slice3A_25 : vector<1024x128xf32>
    %lt3A = arith.cmpf olt, %add3A_26, %add3A_17 : vector<1024x128xf32>
    %select_n3A = arith.select %lt3A, %add3A_26, %add3A_17 : vector<1024x128xi1>, vector<1024x128xf32>
    %add3A_27 = arith.constant 128 : i32
    %add3A_28 = vector.broadcast %add3A_27 : i32 to vector<1024x128xi32>
    %add3A_29 = arith.addi %iota3A, %add3A_28 : vector<1024x128xi32>
    %select_n3A_30 = arith.select %lt3A, %add3A_29, %add3A_20 : vector<1024x128xi1>, vector<1024x128xi32>
    %slice3A_31 = vector.extract_strided_slice %get3A_13 {offsets = [0, 256], sizes = [1, 128], strides = [1, 1]} : vector<1x8192xf32> to vector<1x128xf32>
    %add3A_32 = vector.broadcast %broadcast_in_dim3A : vector<1024x1xf32> to vector<1024x128xf32>
    %add3A_33 = vector.broadcast %slice3A_31 : vector<1x128xf32> to vector<1024x128xf32>
    %add3A_34 = arith.addf %add3A_32, %add3A_33 : vector<1024x128xf32>
    %slice3A_35 = vector.extract_strided_slice %dot_general3A_8 {offsets = [0, 256], sizes = [1024, 128], strides = [1, 1]} : vector<1024x8192xf32> to vector<1024x128xf32>
    %add3A_36 = arith.addf %add3A_34, %slice3A_35 : vector<1024x128xf32>
    %lt3A_37 = arith.cmpf olt, %add3A_36, %select_n3A : vector<1024x128xf32>
    %select_n3A_38 = arith.select %lt3A_37, %add3A_36, %select_n3A : vector<1024x128xi1>, vector<1024x128xf32>
    %add3A_39 = arith.constant 256 : i32
    %add3A_40 = vector.broadcast %add3A_39 : i32 to vector<1024x128xi32>
    %add3A_41 = arith.addi %iota3A, %add3A_40 : vector<1024x128xi32>
    %select_n3A_42 = arith.select %lt3A_37, %add3A_41, %select_n3A_30 : vector<1024x128xi1>, vector<1024x128xi32>
    %slice3A_43 = vector.extract_strided_slice %get3A_13 {offsets = [0, 384], sizes = [1, 128], strides = [1, 1]} : vector<1x8192xf32> to vector<1x128xf32>
    %add3A_44 = vector.broadcast %broadcast_in_dim3A : vector<1024x1xf32> to vector<1024x128xf32>
    %add3A_45 = vector.broadcast %slice3A_43 : vector<1x128xf32> to vector<1024x128xf32>
    %add3A_46 = arith.addf %add3A_44, %add3A_45 : vector<1024x128xf32>
    %slice3A_47 = vector.extract_strided_slice %dot_general3A_8 {offsets = [0, 384], sizes = [1024, 128], strides = [1, 1]} : vector<1024x8192xf32> to vector<1024x128xf32>
    %add3A_48 = arith.addf %add3A_46, %slice3A_47 : vector<1024x128xf32>
    %lt3A_49 = arith.cmpf olt, %add3A_48, %select_n3A_38 : vector<1024x128xf32>
    %select_n3A_50 = arith.select %lt3A_49, %add3A_48, %select_n3A_38 : vector<1024x128xi1>, vector<1024x128xf32>
    %add3A_51 = arith.constant 384 : i32
    %add3A_52 = vector.broadcast %add3A_51 : i32 to vector<1024x128xi32>
    %add3A_53 = arith.addi %iota3A, %add3A_52 : vector<1024x128xi32>
    %select_n3A_54 = arith.select %lt3A_49, %add3A_53, %select_n3A_42 : vector<1024x128xi1>, vector<1024x128xi32>
    %slice3A_55 = vector.extract_strided_slice %get3A_13 {offsets = [0, 512], sizes = [1, 128], strides = [1, 1]} : vector<1x8192xf32> to vector<1x128xf32>
    %add3A_56 = vector.broadcast %broadcast_in_dim3A : vector<1024x1xf32> to vector<1024x128xf32>
    %add3A_57 = vector.broadcast %slice3A_55 : vector<1x128xf32> to vector<1024x128xf32>
    %add3A_58 = arith.addf %add3A_56, %add3A_57 : vector<1024x128xf32>
    %slice3A_59 = vector.extract_strided_slice %dot_general3A_8 {offsets = [0, 512], sizes = [1024, 128], strides = [1, 1]} : vector<1024x8192xf32> to vector<1024x128xf32>
    %add3A_60 = arith.addf %add3A_58, %slice3A_59 : vector<1024x128xf32>
    %lt3A_61 = arith.cmpf olt, %add3A_60, %select_n3A_50 : vector<1024x128xf32>
    %select_n3A_62 = arith.select %lt3A_61, %add3A_60, %select_n3A_50 : vector<1024x128xi1>, vector<1024x128xf32>
    %add3A_63 = arith.constant 512 : i32
    %add3A_64 = vector.broadcast %add3A_63 : i32 to vector<1024x128xi32>
    %add3A_65 = arith.addi %iota3A, %add3A_64 : vector<1024x128xi32>
    %select_n3A_66 = arith.select %lt3A_61, %add3A_65, %select_n3A_54 : vector<1024x128xi1>, vector<1024x128xi32>
    %slice3A_67 = vector.extract_strided_slice %get3A_13 {offsets = [0, 640], sizes = [1, 128], strides = [1, 1]} : vector<1x8192xf32> to vector<1x128xf32>
    %add3A_68 = vector.broadcast %broadcast_in_dim3A : vector<1024x1xf32> to vector<1024x128xf32>
    %add3A_69 = vector.broadcast %slice3A_67 : vector<1x128xf32> to vector<1024x128xf32>
    %add3A_70 = arith.addf %add3A_68, %add3A_69 : vector<1024x128xf32>
    %slice3A_71 = vector.extract_strided_slice %dot_general3A_8 {offsets = [0, 640], sizes = [1024, 128], strides = [1, 1]} : vector<1024x8192xf32> to vector<1024x128xf32>
    %add3A_72 = arith.addf %add3A_70, %slice3A_71 : vector<1024x128xf32>
    %lt3A_73 = arith.cmpf olt, %add3A_72, %select_n3A_62 : vector<1024x128xf32>
    %select_n3A_74 = arith.select %lt3A_73, %add3A_72, %select_n3A_62 : vector<1024x128xi1>, vector<1024x128xf32>
    %add3A_75 = arith.constant 640 : i32
    %add3A_76 = vector.broadcast %add3A_75 : i32 to vector<1024x128xi32>
    %add3A_77 = arith.addi %iota3A, %add3A_76 : vector<1024x128xi32>
    %select_n3A_78 = arith.select %lt3A_73, %add3A_77, %select_n3A_66 : vector<1024x128xi1>, vector<1024x128xi32>
    %slice3A_79 = vector.extract_strided_slice %get3A_13 {offsets = [0, 768], sizes = [1, 128], strides = [1, 1]} : vector<1x8192xf32> to vector<1x128xf32>
    %add3A_80 = vector.broadcast %broadcast_in_dim3A : vector<1024x1xf32> to vector<1024x128xf32>
    %add3A_81 = vector.broadcast %slice3A_79 : vector<1x128xf32> to vector<1024x128xf32>
    %add3A_82 = arith.addf %add3A_80, %add3A_81 : vector<1024x128xf32>
    %slice3A_83 = vector.extract_strided_slice %dot_general3A_8 {offsets = [0, 768], sizes = [1024, 128], strides = [1, 1]} : vector<1024x8192xf32> to vector<1024x128xf32>
    %add3A_84 = arith.addf %add3A_82, %slice3A_83 : vector<1024x128xf32>
    %lt3A_85 = arith.cmpf olt, %add3A_84, %select_n3A_74 : vector<1024x128xf32>
    %select_n3A_86 = arith.select %lt3A_85, %add3A_84, %select_n3A_74 : vector<1024x128xi1>, vector<1024x128xf32>
    %add3A_87 = arith.constant 768 : i32
    %add3A_88 = vector.broadcast %add3A_87 : i32 to vector<1024x128xi32>
    %add3A_89 = arith.addi %iota3A, %add3A_88 : vector<1024x128xi32>
    %select_n3A_90 = arith.select %lt3A_85, %add3A_89, %select_n3A_78 : vector<1024x128xi1>, vector<1024x128xi32>
    %slice3A_91 = vector.extract_strided_slice %get3A_13 {offsets = [0, 896], sizes = [1, 128], strides = [1, 1]} : vector<1x8192xf32> to vector<1x128xf32>
    %add3A_92 = vector.broadcast %broadcast_in_dim3A : vector<1024x1xf32> to vector<1024x128xf32>
    %add3A_93 = vector.broadcast %slice3A_91 : vector<1x128xf32> to vector<1024x128xf32>
    %add3A_94 = arith.addf %add3A_92, %add3A_93 : vector<1024x128xf32>
    %slice3A_95 = vector.extract_strided_slice %dot_general3A_8 {offsets = [0, 896], sizes = [1024, 128], strides = [1, 1]} : vector<1024x8192xf32> to vector<1024x128xf32>
    %add3A_96 = arith.addf %add3A_94, %slice3A_95 : vector<1024x128xf32>
    %lt3A_97 = arith.cmpf olt, %add3A_96, %select_n3A_86 : vector<1024x128xf32>
    %select_n3A_98 = arith.select %lt3A_97, %add3A_96, %select_n3A_86 : vector<1024x128xi1>, vector<1024x128xf32>
    %add3A_99 = arith.constant 896 : i32
    %add3A_100 = vector.broadcast %add3A_99 : i32 to vector<1024x128xi32>
    %add3A_101 = arith.addi %iota3A, %add3A_100 : vector<1024x128xi32>
    %select_n3A_102 = arith.select %lt3A_97, %add3A_101, %select_n3A_90 : vector<1024x128xi1>, vector<1024x128xi32>
    %slice3A_103 = vector.extract_strided_slice %get3A_13 {offsets = [0, 1024], sizes = [1, 128], strides = [1, 1]} : vector<1x8192xf32> to vector<1x128xf32>
    %add3A_104 = vector.broadcast %broadcast_in_dim3A : vector<1024x1xf32> to vector<1024x128xf32>
    %add3A_105 = vector.broadcast %slice3A_103 : vector<1x128xf32> to vector<1024x128xf32>
    %add3A_106 = arith.addf %add3A_104, %add3A_105 : vector<1024x128xf32>
    %slice3A_107 = vector.extract_strided_slice %dot_general3A_8 {offsets = [0, 1024], sizes = [1024, 128], strides = [1, 1]} : vector<1024x8192xf32> to vector<1024x128xf32>
    %add3A_108 = arith.addf %add3A_106, %slice3A_107 : vector<1024x128xf32>
    %lt3A_109 = arith.cmpf olt, %add3A_108, %select_n3A_98 : vector<1024x128xf32>
    %select_n3A_110 = arith.select %lt3A_109, %add3A_108, %select_n3A_98 : vector<1024x128xi1>, vector<1024x128xf32>
    %add3A_111 = arith.constant 1024 : i32
    %add3A_112 = vector.broadcast %add3A_111 : i32 to vector<1024x128xi32>
    %add3A_113 = arith.addi %iota3A, %add3A_112 : vector<1024x128xi32>
    %select_n3A_114 = arith.select %lt3A_109, %add3A_113, %select_n3A_102 : vector<1024x128xi1>, vector<1024x128xi32>
    %slice3A_115 = vector.extract_strided_slice %get3A_13 {offsets = [0, 1152], sizes = [1, 128], strides = [1, 1]} : vector<1x8192xf32> to vector<1x128xf32>
    %add3A_116 = vector.broadcast %broadcast_in_dim3A : vector<1024x1xf32> to vector<1024x128xf32>
    %add3A_117 = vector.broadcast %slice3A_115 : vector<1x128xf32> to vector<1024x128xf32>
    %add3A_118 = arith.addf %add3A_116, %add3A_117 : vector<1024x128xf32>
    %slice3A_119 = vector.extract_strided_slice %dot_general3A_8 {offsets = [0, 1152], sizes = [1024, 128], strides = [1, 1]} : vector<1024x8192xf32> to vector<1024x128xf32>
    %add3A_120 = arith.addf %add3A_118, %slice3A_119 : vector<1024x128xf32>
    %lt3A_121 = arith.cmpf olt, %add3A_120, %select_n3A_110 : vector<1024x128xf32>
    %select_n3A_122 = arith.select %lt3A_121, %add3A_120, %select_n3A_110 : vector<1024x128xi1>, vector<1024x128xf32>
    %add3A_123 = arith.constant 1152 : i32
    %add3A_124 = vector.broadcast %add3A_123 : i32 to vector<1024x128xi32>
    %add3A_125 = arith.addi %iota3A, %add3A_124 : vector<1024x128xi32>
    %select_n3A_126 = arith.select %lt3A_121, %add3A_125, %select_n3A_114 : vector<1024x128xi1>, vector<1024x128xi32>
    %slice3A_127 = vector.extract_strided_slice %get3A_13 {offsets = [0, 1280], sizes = [1, 128], strides = [1, 1]} : vector<1x8192xf32> to vector<1x128xf32>
    %add3A_128 = vector.broadcast %broadcast_in_dim3A : vector<1024x1xf32> to vector<1024x128xf32>
    %add3A_129 = vector.broadcast %slice3A_127 : vector<1x128xf32> to vector<1024x128xf32>
    %add3A_130 = arith.addf %add3A_128, %add3A_129 : vector<1024x128xf32>
    %slice3A_131 = vector.extract_strided_slice %dot_general3A_8 {offsets = [0, 1280], sizes = [1024, 128], strides = [1, 1]} : vector<1024x8192xf32> to vector<1024x128xf32>
    %add3A_132 = arith.addf %add3A_130, %slice3A_131 : vector<1024x128xf32>
    %lt3A_133 = arith.cmpf olt, %add3A_132, %select_n3A_122 : vector<1024x128xf32>
    %select_n3A_134 = arith.select %lt3A_133, %add3A_132, %select_n3A_122 : vector<1024x128xi1>, vector<1024x128xf32>
    %add3A_135 = arith.constant 1280 : i32
    %add3A_136 = vector.broadcast %add3A_135 : i32 to vector<1024x128xi32>
    %add3A_137 = arith.addi %iota3A, %add3A_136 : vector<1024x128xi32>
    %select_n3A_138 = arith.select %lt3A_133, %add3A_137, %select_n3A_126 : vector<1024x128xi1>, vector<1024x128xi32>
    %slice3A_139 = vector.extract_strided_slice %get3A_13 {offsets = [0, 1408], sizes = [1, 128], strides = [1, 1]} : vector<1x8192xf32> to vector<1x128xf32>
    %add3A_140 = vector.broadcast %broadcast_in_dim3A : vector<1024x1xf32> to vector<1024x128xf32>
    %add3A_141 = vector.broadcast %slice3A_139 : vector<1x128xf32> to vector<1024x128xf32>
    %add3A_142 = arith.addf %add3A_140, %add3A_141 : vector<1024x128xf32>
    %slice3A_143 = vector.extract_strided_slice %dot_general3A_8 {offsets = [0, 1408], sizes = [1024, 128], strides = [1, 1]} : vector<1024x8192xf32> to vector<1024x128xf32>
    %add3A_144 = arith.addf %add3A_142, %slice3A_143 : vector<1024x128xf32>
    %lt3A_145 = arith.cmpf olt, %add3A_144, %select_n3A_134 : vector<1024x128xf32>
    %select_n3A_146 = arith.select %lt3A_145, %add3A_144, %select_n3A_134 : vector<1024x128xi1>, vector<1024x128xf32>
    %add3A_147 = arith.constant 1408 : i32
    %add3A_148 = vector.broadcast %add3A_147 : i32 to vector<1024x128xi32>
    %add3A_149 = arith.addi %iota3A, %add3A_148 : vector<1024x128xi32>
    %select_n3A_150 = arith.select %lt3A_145, %add3A_149, %select_n3A_138 : vector<1024x128xi1>, vector<1024x128xi32>
    %slice3A_151 = vector.extract_strided_slice %get3A_13 {offsets = [0, 1536], sizes = [1, 128], strides = [1, 1]} : vector<1x8192xf32> to vector<1x128xf32>
    %add3A_152 = vector.broadcast %broadcast_in_dim3A : vector<1024x1xf32> to vector<1024x128xf32>
    %add3A_153 = vector.broadcast %slice3A_151 : vector<1x128xf32> to vector<1024x128xf32>
    %add3A_154 = arith.addf %add3A_152, %add3A_153 : vector<1024x128xf32>
    %slice3A_155 = vector.extract_strided_slice %dot_general3A_8 {offsets = [0, 1536], sizes = [1024, 128], strides = [1, 1]} : vector<1024x8192xf32> to vector<1024x128xf32>
    %add3A_156 = arith.addf %add3A_154, %slice3A_155 : vector<1024x128xf32>
    %lt3A_157 = arith.cmpf olt, %add3A_156, %select_n3A_146 : vector<1024x128xf32>
    %select_n3A_158 = arith.select %lt3A_157, %add3A_156, %select_n3A_146 : vector<1024x128xi1>, vector<1024x128xf32>
    %add3A_159 = arith.constant 1536 : i32
    %add3A_160 = vector.broadcast %add3A_159 : i32 to vector<1024x128xi32>
    %add3A_161 = arith.addi %iota3A, %add3A_160 : vector<1024x128xi32>
    %select_n3A_162 = arith.select %lt3A_157, %add3A_161, %select_n3A_150 : vector<1024x128xi1>, vector<1024x128xi32>
    %slice3A_163 = vector.extract_strided_slice %get3A_13 {offsets = [0, 1664], sizes = [1, 128], strides = [1, 1]} : vector<1x8192xf32> to vector<1x128xf32>
    %add3A_164 = vector.broadcast %broadcast_in_dim3A : vector<1024x1xf32> to vector<1024x128xf32>
    %add3A_165 = vector.broadcast %slice3A_163 : vector<1x128xf32> to vector<1024x128xf32>
    %add3A_166 = arith.addf %add3A_164, %add3A_165 : vector<1024x128xf32>
    %slice3A_167 = vector.extract_strided_slice %dot_general3A_8 {offsets = [0, 1664], sizes = [1024, 128], strides = [1, 1]} : vector<1024x8192xf32> to vector<1024x128xf32>
    %add3A_168 = arith.addf %add3A_166, %slice3A_167 : vector<1024x128xf32>
    %lt3A_169 = arith.cmpf olt, %add3A_168, %select_n3A_158 : vector<1024x128xf32>
    %select_n3A_170 = arith.select %lt3A_169, %add3A_168, %select_n3A_158 : vector<1024x128xi1>, vector<1024x128xf32>
    %add3A_171 = arith.constant 1664 : i32
    %add3A_172 = vector.broadcast %add3A_171 : i32 to vector<1024x128xi32>
    %add3A_173 = arith.addi %iota3A, %add3A_172 : vector<1024x128xi32>
    %select_n3A_174 = arith.select %lt3A_169, %add3A_173, %select_n3A_162 : vector<1024x128xi1>, vector<1024x128xi32>
    %slice3A_175 = vector.extract_strided_slice %get3A_13 {offsets = [0, 1792], sizes = [1, 128], strides = [1, 1]} : vector<1x8192xf32> to vector<1x128xf32>
    %add3A_176 = vector.broadcast %broadcast_in_dim3A : vector<1024x1xf32> to vector<1024x128xf32>
    %add3A_177 = vector.broadcast %slice3A_175 : vector<1x128xf32> to vector<1024x128xf32>
    %add3A_178 = arith.addf %add3A_176, %add3A_177 : vector<1024x128xf32>
    %slice3A_179 = vector.extract_strided_slice %dot_general3A_8 {offsets = [0, 1792], sizes = [1024, 128], strides = [1, 1]} : vector<1024x8192xf32> to vector<1024x128xf32>
    %add3A_180 = arith.addf %add3A_178, %slice3A_179 : vector<1024x128xf32>
    %lt3A_181 = arith.cmpf olt, %add3A_180, %select_n3A_170 : vector<1024x128xf32>
    %select_n3A_182 = arith.select %lt3A_181, %add3A_180, %select_n3A_170 : vector<1024x128xi1>, vector<1024x128xf32>
    %add3A_183 = arith.constant 1792 : i32
    %add3A_184 = vector.broadcast %add3A_183 : i32 to vector<1024x128xi32>
    %add3A_185 = arith.addi %iota3A, %add3A_184 : vector<1024x128xi32>
    %select_n3A_186 = arith.select %lt3A_181, %add3A_185, %select_n3A_174 : vector<1024x128xi1>, vector<1024x128xi32>
    %slice3A_187 = vector.extract_strided_slice %get3A_13 {offsets = [0, 1920], sizes = [1, 128], strides = [1, 1]} : vector<1x8192xf32> to vector<1x128xf32>
    %add3A_188 = vector.broadcast %broadcast_in_dim3A : vector<1024x1xf32> to vector<1024x128xf32>
    %add3A_189 = vector.broadcast %slice3A_187 : vector<1x128xf32> to vector<1024x128xf32>
    %add3A_190 = arith.addf %add3A_188, %add3A_189 : vector<1024x128xf32>
    %slice3A_191 = vector.extract_strided_slice %dot_general3A_8 {offsets = [0, 1920], sizes = [1024, 128], strides = [1, 1]} : vector<1024x8192xf32> to vector<1024x128xf32>
    %add3A_192 = arith.addf %add3A_190, %slice3A_191 : vector<1024x128xf32>
    %lt3A_193 = arith.cmpf olt, %add3A_192, %select_n3A_182 : vector<1024x128xf32>
    %select_n3A_194 = arith.select %lt3A_193, %add3A_192, %select_n3A_182 : vector<1024x128xi1>, vector<1024x128xf32>
    %add3A_195 = arith.constant 1920 : i32
    %add3A_196 = vector.broadcast %add3A_195 : i32 to vector<1024x128xi32>
    %add3A_197 = arith.addi %iota3A, %add3A_196 : vector<1024x128xi32>
    %select_n3A_198 = arith.select %lt3A_193, %add3A_197, %select_n3A_186 : vector<1024x128xi1>, vector<1024x128xi32>
    %reduce_min3A = arith.constant dense<0x7F800000> : vector<1024xf32>
    %reduce_min3A_199 = vector.multi_reduction <minimumf>, %select_n3A_194, %reduce_min3A [1] : vector<1024x128xf32> to vector<1024xf32>
    %broadcast_in_dim3A_200 = vector.shape_cast %reduce_min3A_199 : vector<1024xf32> to vector<1024x1xf32>
    %eq3A = vector.broadcast %broadcast_in_dim3A_200 : vector<1024x1xf32> to vector<1024x128xf32>
    %eq3A_201 = arith.cmpf oeq, %select_n3A_194, %eq3A : vector<1024x128xf32>
    %jit3A = arith.constant 2147483647 : i32
    %broadcast_in_dim3A_202 = vector.broadcast %jit3A : i32 to vector<1024x128xi32>
    %select_n3A_203 = arith.select %eq3A_201, %select_n3A_198, %broadcast_in_dim3A_202 : vector<1024x128xi1>, vector<1024x128xi32>
    %reduce_min3A_204 = arith.constant dense<2147483647> : vector<1024xi32>
    %reduce_min3A_205 = vector.multi_reduction <minsi>, %select_n3A_203, %reduce_min3A_204 [1] : vector<1024x128xi32> to vector<1024xi32>
    %broadcast_in_dim3A_206 = vector.shape_cast %reduce_min3A_205 : vector<1024xi32> to vector<1024x1xi32>
    %convert_element_type3A_207 = arith.truncf %broadcast_in_dim3A_200 : vector<1024x1xf32> to vector<1024x1xbf16>
    %convert_element_type3A_208 = arith.extf %convert_element_type3A_207 : vector<1024x1xbf16> to vector<1024x1xf32>
    %slice3A_209 = vector.extract_strided_slice %get3A_13 {offsets = [0, 2048], sizes = [1, 128], strides = [1, 1]} : vector<1x8192xf32> to vector<1x128xf32>
    %add3A_210 = vector.broadcast %broadcast_in_dim3A : vector<1024x1xf32> to vector<1024x128xf32>
    %add3A_211 = vector.broadcast %slice3A_209 : vector<1x128xf32> to vector<1024x128xf32>
    %add3A_212 = arith.addf %add3A_210, %add3A_211 : vector<1024x128xf32>
    %slice3A_213 = vector.extract_strided_slice %dot_general3A_8 {offsets = [0, 2048], sizes = [1024, 128], strides = [1, 1]} : vector<1024x8192xf32> to vector<1024x128xf32>
    %add3A_214 = arith.addf %add3A_212, %slice3A_213 : vector<1024x128xf32>
    %add3A_215 = arith.constant 2048 : i32
    %add3A_216 = vector.broadcast %add3A_215 : i32 to vector<1024x128xi32>
    %add3A_217 = arith.addi %iota3A, %add3A_216 : vector<1024x128xi32>
    %slice3A_218 = vector.extract_strided_slice %get3A_13 {offsets = [0, 2176], sizes = [1, 128], strides = [1, 1]} : vector<1x8192xf32> to vector<1x128xf32>
    %add3A_219 = vector.broadcast %broadcast_in_dim3A : vector<1024x1xf32> to vector<1024x128xf32>
    %add3A_220 = vector.broadcast %slice3A_218 : vector<1x128xf32> to vector<1024x128xf32>
    %add3A_221 = arith.addf %add3A_219, %add3A_220 : vector<1024x128xf32>
    %slice3A_222 = vector.extract_strided_slice %dot_general3A_8 {offsets = [0, 2176], sizes = [1024, 128], strides = [1, 1]} : vector<1024x8192xf32> to vector<1024x128xf32>
    %add3A_223 = arith.addf %add3A_221, %slice3A_222 : vector<1024x128xf32>
    %lt3A_224 = arith.cmpf olt, %add3A_223, %add3A_214 : vector<1024x128xf32>
    %select_n3A_225 = arith.select %lt3A_224, %add3A_223, %add3A_214 : vector<1024x128xi1>, vector<1024x128xf32>
    %add3A_226 = arith.constant 2176 : i32
    %add3A_227 = vector.broadcast %add3A_226 : i32 to vector<1024x128xi32>
    %add3A_228 = arith.addi %iota3A, %add3A_227 : vector<1024x128xi32>
    %select_n3A_229 = arith.select %lt3A_224, %add3A_228, %add3A_217 : vector<1024x128xi1>, vector<1024x128xi32>
    %slice3A_230 = vector.extract_strided_slice %get3A_13 {offsets = [0, 2304], sizes = [1, 128], strides = [1, 1]} : vector<1x8192xf32> to vector<1x128xf32>
    %add3A_231 = vector.broadcast %broadcast_in_dim3A : vector<1024x1xf32> to vector<1024x128xf32>
    %add3A_232 = vector.broadcast %slice3A_230 : vector<1x128xf32> to vector<1024x128xf32>
    %add3A_233 = arith.addf %add3A_231, %add3A_232 : vector<1024x128xf32>
    %slice3A_234 = vector.extract_strided_slice %dot_general3A_8 {offsets = [0, 2304], sizes = [1024, 128], strides = [1, 1]} : vector<1024x8192xf32> to vector<1024x128xf32>
    %add3A_235 = arith.addf %add3A_233, %slice3A_234 : vector<1024x128xf32>
    %lt3A_236 = arith.cmpf olt, %add3A_235, %select_n3A_225 : vector<1024x128xf32>
    %select_n3A_237 = arith.select %lt3A_236, %add3A_235, %select_n3A_225 : vector<1024x128xi1>, vector<1024x128xf32>
    %add3A_238 = arith.constant 2304 : i32
    %add3A_239 = vector.broadcast %add3A_238 : i32 to vector<1024x128xi32>
    %add3A_240 = arith.addi %iota3A, %add3A_239 : vector<1024x128xi32>
    %select_n3A_241 = arith.select %lt3A_236, %add3A_240, %select_n3A_229 : vector<1024x128xi1>, vector<1024x128xi32>
    %slice3A_242 = vector.extract_strided_slice %get3A_13 {offsets = [0, 2432], sizes = [1, 128], strides = [1, 1]} : vector<1x8192xf32> to vector<1x128xf32>
    %add3A_243 = vector.broadcast %broadcast_in_dim3A : vector<1024x1xf32> to vector<1024x128xf32>
    %add3A_244 = vector.broadcast %slice3A_242 : vector<1x128xf32> to vector<1024x128xf32>
    %add3A_245 = arith.addf %add3A_243, %add3A_244 : vector<1024x128xf32>
    %slice3A_246 = vector.extract_strided_slice %dot_general3A_8 {offsets = [0, 2432], sizes = [1024, 128], strides = [1, 1]} : vector<1024x8192xf32> to vector<1024x128xf32>
    %add3A_247 = arith.addf %add3A_245, %slice3A_246 : vector<1024x128xf32>
    %lt3A_248 = arith.cmpf olt, %add3A_247, %select_n3A_237 : vector<1024x128xf32>
    %select_n3A_249 = arith.select %lt3A_248, %add3A_247, %select_n3A_237 : vector<1024x128xi1>, vector<1024x128xf32>
    %add3A_250 = arith.constant 2432 : i32
    %add3A_251 = vector.broadcast %add3A_250 : i32 to vector<1024x128xi32>
    %add3A_252 = arith.addi %iota3A, %add3A_251 : vector<1024x128xi32>
    %select_n3A_253 = arith.select %lt3A_248, %add3A_252, %select_n3A_241 : vector<1024x128xi1>, vector<1024x128xi32>
    %slice3A_254 = vector.extract_strided_slice %get3A_13 {offsets = [0, 2560], sizes = [1, 128], strides = [1, 1]} : vector<1x8192xf32> to vector<1x128xf32>
    %add3A_255 = vector.broadcast %broadcast_in_dim3A : vector<1024x1xf32> to vector<1024x128xf32>
    %add3A_256 = vector.broadcast %slice3A_254 : vector<1x128xf32> to vector<1024x128xf32>
    %add3A_257 = arith.addf %add3A_255, %add3A_256 : vector<1024x128xf32>
    %slice3A_258 = vector.extract_strided_slice %dot_general3A_8 {offsets = [0, 2560], sizes = [1024, 128], strides = [1, 1]} : vector<1024x8192xf32> to vector<1024x128xf32>
    %add3A_259 = arith.addf %add3A_257, %slice3A_258 : vector<1024x128xf32>
    %lt3A_260 = arith.cmpf olt, %add3A_259, %select_n3A_249 : vector<1024x128xf32>
    %select_n3A_261 = arith.select %lt3A_260, %add3A_259, %select_n3A_249 : vector<1024x128xi1>, vector<1024x128xf32>
    %add3A_262 = arith.constant 2560 : i32
    %add3A_263 = vector.broadcast %add3A_262 : i32 to vector<1024x128xi32>
    %add3A_264 = arith.addi %iota3A, %add3A_263 : vector<1024x128xi32>
    %select_n3A_265 = arith.select %lt3A_260, %add3A_264, %select_n3A_253 : vector<1024x128xi1>, vector<1024x128xi32>
    %slice3A_266 = vector.extract_strided_slice %get3A_13 {offsets = [0, 2688], sizes = [1, 128], strides = [1, 1]} : vector<1x8192xf32> to vector<1x128xf32>
    %add3A_267 = vector.broadcast %broadcast_in_dim3A : vector<1024x1xf32> to vector<1024x128xf32>
    %add3A_268 = vector.broadcast %slice3A_266 : vector<1x128xf32> to vector<1024x128xf32>
    %add3A_269 = arith.addf %add3A_267, %add3A_268 : vector<1024x128xf32>
    %slice3A_270 = vector.extract_strided_slice %dot_general3A_8 {offsets = [0, 2688], sizes = [1024, 128], strides = [1, 1]} : vector<1024x8192xf32> to vector<1024x128xf32>
    %add3A_271 = arith.addf %add3A_269, %slice3A_270 : vector<1024x128xf32>
    %lt3A_272 = arith.cmpf olt, %add3A_271, %select_n3A_261 : vector<1024x128xf32>
    %select_n3A_273 = arith.select %lt3A_272, %add3A_271, %select_n3A_261 : vector<1024x128xi1>, vector<1024x128xf32>
    %add3A_274 = arith.constant 2688 : i32
    %add3A_275 = vector.broadcast %add3A_274 : i32 to vector<1024x128xi32>
    %add3A_276 = arith.addi %iota3A, %add3A_275 : vector<1024x128xi32>
    %select_n3A_277 = arith.select %lt3A_272, %add3A_276, %select_n3A_265 : vector<1024x128xi1>, vector<1024x128xi32>
    %slice3A_278 = vector.extract_strided_slice %get3A_13 {offsets = [0, 2816], sizes = [1, 128], strides = [1, 1]} : vector<1x8192xf32> to vector<1x128xf32>
    %add3A_279 = vector.broadcast %broadcast_in_dim3A : vector<1024x1xf32> to vector<1024x128xf32>
    %add3A_280 = vector.broadcast %slice3A_278 : vector<1x128xf32> to vector<1024x128xf32>
    %add3A_281 = arith.addf %add3A_279, %add3A_280 : vector<1024x128xf32>
    %slice3A_282 = vector.extract_strided_slice %dot_general3A_8 {offsets = [0, 2816], sizes = [1024, 128], strides = [1, 1]} : vector<1024x8192xf32> to vector<1024x128xf32>
    %add3A_283 = arith.addf %add3A_281, %slice3A_282 : vector<1024x128xf32>
    %lt3A_284 = arith.cmpf olt, %add3A_283, %select_n3A_273 : vector<1024x128xf32>
    %select_n3A_285 = arith.select %lt3A_284, %add3A_283, %select_n3A_273 : vector<1024x128xi1>, vector<1024x128xf32>
    %add3A_286 = arith.constant 2816 : i32
    %add3A_287 = vector.broadcast %add3A_286 : i32 to vector<1024x128xi32>
    %add3A_288 = arith.addi %iota3A, %add3A_287 : vector<1024x128xi32>
    %select_n3A_289 = arith.select %lt3A_284, %add3A_288, %select_n3A_277 : vector<1024x128xi1>, vector<1024x128xi32>
    %slice3A_290 = vector.extract_strided_slice %get3A_13 {offsets = [0, 2944], sizes = [1, 128], strides = [1, 1]} : vector<1x8192xf32> to vector<1x128xf32>
    %add3A_291 = vector.broadcast %broadcast_in_dim3A : vector<1024x1xf32> to vector<1024x128xf32>
    %add3A_292 = vector.broadcast %slice3A_290 : vector<1x128xf32> to vector<1024x128xf32>
    %add3A_293 = arith.addf %add3A_291, %add3A_292 : vector<1024x128xf32>
    %slice3A_294 = vector.extract_strided_slice %dot_general3A_8 {offsets = [0, 2944], sizes = [1024, 128], strides = [1, 1]} : vector<1024x8192xf32> to vector<1024x128xf32>
    %add3A_295 = arith.addf %add3A_293, %slice3A_294 : vector<1024x128xf32>
    %lt3A_296 = arith.cmpf olt, %add3A_295, %select_n3A_285 : vector<1024x128xf32>
    %select_n3A_297 = arith.select %lt3A_296, %add3A_295, %select_n3A_285 : vector<1024x128xi1>, vector<1024x128xf32>
    %add3A_298 = arith.constant 2944 : i32
    %add3A_299 = vector.broadcast %add3A_298 : i32 to vector<1024x128xi32>
    %add3A_300 = arith.addi %iota3A, %add3A_299 : vector<1024x128xi32>
    %select_n3A_301 = arith.select %lt3A_296, %add3A_300, %select_n3A_289 : vector<1024x128xi1>, vector<1024x128xi32>
    %slice3A_302 = vector.extract_strided_slice %get3A_13 {offsets = [0, 3072], sizes = [1, 128], strides = [1, 1]} : vector<1x8192xf32> to vector<1x128xf32>
    %add3A_303 = vector.broadcast %broadcast_in_dim3A : vector<1024x1xf32> to vector<1024x128xf32>
    %add3A_304 = vector.broadcast %slice3A_302 : vector<1x128xf32> to vector<1024x128xf32>
    %add3A_305 = arith.addf %add3A_303, %add3A_304 : vector<1024x128xf32>
    %slice3A_306 = vector.extract_strided_slice %dot_general3A_8 {offsets = [0, 3072], sizes = [1024, 128], strides = [1, 1]} : vector<1024x8192xf32> to vector<1024x128xf32>
    %add3A_307 = arith.addf %add3A_305, %slice3A_306 : vector<1024x128xf32>
    %lt3A_308 = arith.cmpf olt, %add3A_307, %select_n3A_297 : vector<1024x128xf32>
    %select_n3A_309 = arith.select %lt3A_308, %add3A_307, %select_n3A_297 : vector<1024x128xi1>, vector<1024x128xf32>
    %add3A_310 = arith.constant 3072 : i32
    %add3A_311 = vector.broadcast %add3A_310 : i32 to vector<1024x128xi32>
    %add3A_312 = arith.addi %iota3A, %add3A_311 : vector<1024x128xi32>
    %select_n3A_313 = arith.select %lt3A_308, %add3A_312, %select_n3A_301 : vector<1024x128xi1>, vector<1024x128xi32>
    %slice3A_314 = vector.extract_strided_slice %get3A_13 {offsets = [0, 3200], sizes = [1, 128], strides = [1, 1]} : vector<1x8192xf32> to vector<1x128xf32>
    %add3A_315 = vector.broadcast %broadcast_in_dim3A : vector<1024x1xf32> to vector<1024x128xf32>
    %add3A_316 = vector.broadcast %slice3A_314 : vector<1x128xf32> to vector<1024x128xf32>
    %add3A_317 = arith.addf %add3A_315, %add3A_316 : vector<1024x128xf32>
    %slice3A_318 = vector.extract_strided_slice %dot_general3A_8 {offsets = [0, 3200], sizes = [1024, 128], strides = [1, 1]} : vector<1024x8192xf32> to vector<1024x128xf32>
    %add3A_319 = arith.addf %add3A_317, %slice3A_318 : vector<1024x128xf32>
    %lt3A_320 = arith.cmpf olt, %add3A_319, %select_n3A_309 : vector<1024x128xf32>
    %select_n3A_321 = arith.select %lt3A_320, %add3A_319, %select_n3A_309 : vector<1024x128xi1>, vector<1024x128xf32>
    %add3A_322 = arith.constant 3200 : i32
    %add3A_323 = vector.broadcast %add3A_322 : i32 to vector<1024x128xi32>
    %add3A_324 = arith.addi %iota3A, %add3A_323 : vector<1024x128xi32>
    %select_n3A_325 = arith.select %lt3A_320, %add3A_324, %select_n3A_313 : vector<1024x128xi1>, vector<1024x128xi32>
    %slice3A_326 = vector.extract_strided_slice %get3A_13 {offsets = [0, 3328], sizes = [1, 128], strides = [1, 1]} : vector<1x8192xf32> to vector<1x128xf32>
    %add3A_327 = vector.broadcast %broadcast_in_dim3A : vector<1024x1xf32> to vector<1024x128xf32>
    %add3A_328 = vector.broadcast %slice3A_326 : vector<1x128xf32> to vector<1024x128xf32>
    %add3A_329 = arith.addf %add3A_327, %add3A_328 : vector<1024x128xf32>
    %slice3A_330 = vector.extract_strided_slice %dot_general3A_8 {offsets = [0, 3328], sizes = [1024, 128], strides = [1, 1]} : vector<1024x8192xf32> to vector<1024x128xf32>
    %add3A_331 = arith.addf %add3A_329, %slice3A_330 : vector<1024x128xf32>
    %lt3A_332 = arith.cmpf olt, %add3A_331, %select_n3A_321 : vector<1024x128xf32>
    %select_n3A_333 = arith.select %lt3A_332, %add3A_331, %select_n3A_321 : vector<1024x128xi1>, vector<1024x128xf32>
    %add3A_334 = arith.constant 3328 : i32
    %add3A_335 = vector.broadcast %add3A_334 : i32 to vector<1024x128xi32>
    %add3A_336 = arith.addi %iota3A, %add3A_335 : vector<1024x128xi32>
    %select_n3A_337 = arith.select %lt3A_332, %add3A_336, %select_n3A_325 : vector<1024x128xi1>, vector<1024x128xi32>
    %slice3A_338 = vector.extract_strided_slice %get3A_13 {offsets = [0, 3456], sizes = [1, 128], strides = [1, 1]} : vector<1x8192xf32> to vector<1x128xf32>
    %add3A_339 = vector.broadcast %broadcast_in_dim3A : vector<1024x1xf32> to vector<1024x128xf32>
    %add3A_340 = vector.broadcast %slice3A_338 : vector<1x128xf32> to vector<1024x128xf32>
    %add3A_341 = arith.addf %add3A_339, %add3A_340 : vector<1024x128xf32>
    %slice3A_342 = vector.extract_strided_slice %dot_general3A_8 {offsets = [0, 3456], sizes = [1024, 128], strides = [1, 1]} : vector<1024x8192xf32> to vector<1024x128xf32>
    %add3A_343 = arith.addf %add3A_341, %slice3A_342 : vector<1024x128xf32>
    %lt3A_344 = arith.cmpf olt, %add3A_343, %select_n3A_333 : vector<1024x128xf32>
    %select_n3A_345 = arith.select %lt3A_344, %add3A_343, %select_n3A_333 : vector<1024x128xi1>, vector<1024x128xf32>
    %add3A_346 = arith.constant 3456 : i32
    %add3A_347 = vector.broadcast %add3A_346 : i32 to vector<1024x128xi32>
    %add3A_348 = arith.addi %iota3A, %add3A_347 : vector<1024x128xi32>
    %select_n3A_349 = arith.select %lt3A_344, %add3A_348, %select_n3A_337 : vector<1024x128xi1>, vector<1024x128xi32>
    %slice3A_350 = vector.extract_strided_slice %get3A_13 {offsets = [0, 3584], sizes = [1, 128], strides = [1, 1]} : vector<1x8192xf32> to vector<1x128xf32>
    %add3A_351 = vector.broadcast %broadcast_in_dim3A : vector<1024x1xf32> to vector<1024x128xf32>
    %add3A_352 = vector.broadcast %slice3A_350 : vector<1x128xf32> to vector<1024x128xf32>
    %add3A_353 = arith.addf %add3A_351, %add3A_352 : vector<1024x128xf32>
    %slice3A_354 = vector.extract_strided_slice %dot_general3A_8 {offsets = [0, 3584], sizes = [1024, 128], strides = [1, 1]} : vector<1024x8192xf32> to vector<1024x128xf32>
    %add3A_355 = arith.addf %add3A_353, %slice3A_354 : vector<1024x128xf32>
    %lt3A_356 = arith.cmpf olt, %add3A_355, %select_n3A_345 : vector<1024x128xf32>
    %select_n3A_357 = arith.select %lt3A_356, %add3A_355, %select_n3A_345 : vector<1024x128xi1>, vector<1024x128xf32>
    %add3A_358 = arith.constant 3584 : i32
    %add3A_359 = vector.broadcast %add3A_358 : i32 to vector<1024x128xi32>
    %add3A_360 = arith.addi %iota3A, %add3A_359 : vector<1024x128xi32>
    %select_n3A_361 = arith.select %lt3A_356, %add3A_360, %select_n3A_349 : vector<1024x128xi1>, vector<1024x128xi32>
    %slice3A_362 = vector.extract_strided_slice %get3A_13 {offsets = [0, 3712], sizes = [1, 128], strides = [1, 1]} : vector<1x8192xf32> to vector<1x128xf32>
    %add3A_363 = vector.broadcast %broadcast_in_dim3A : vector<1024x1xf32> to vector<1024x128xf32>
    %add3A_364 = vector.broadcast %slice3A_362 : vector<1x128xf32> to vector<1024x128xf32>
    %add3A_365 = arith.addf %add3A_363, %add3A_364 : vector<1024x128xf32>
    %slice3A_366 = vector.extract_strided_slice %dot_general3A_8 {offsets = [0, 3712], sizes = [1024, 128], strides = [1, 1]} : vector<1024x8192xf32> to vector<1024x128xf32>
    %add3A_367 = arith.addf %add3A_365, %slice3A_366 : vector<1024x128xf32>
    %lt3A_368 = arith.cmpf olt, %add3A_367, %select_n3A_357 : vector<1024x128xf32>
    %select_n3A_369 = arith.select %lt3A_368, %add3A_367, %select_n3A_357 : vector<1024x128xi1>, vector<1024x128xf32>
    %add3A_370 = arith.constant 3712 : i32
    %add3A_371 = vector.broadcast %add3A_370 : i32 to vector<1024x128xi32>
    %add3A_372 = arith.addi %iota3A, %add3A_371 : vector<1024x128xi32>
    %select_n3A_373 = arith.select %lt3A_368, %add3A_372, %select_n3A_361 : vector<1024x128xi1>, vector<1024x128xi32>
    %slice3A_374 = vector.extract_strided_slice %get3A_13 {offsets = [0, 3840], sizes = [1, 128], strides = [1, 1]} : vector<1x8192xf32> to vector<1x128xf32>
    %add3A_375 = vector.broadcast %broadcast_in_dim3A : vector<1024x1xf32> to vector<1024x128xf32>
    %add3A_376 = vector.broadcast %slice3A_374 : vector<1x128xf32> to vector<1024x128xf32>
    %add3A_377 = arith.addf %add3A_375, %add3A_376 : vector<1024x128xf32>
    %slice3A_378 = vector.extract_strided_slice %dot_general3A_8 {offsets = [0, 3840], sizes = [1024, 128], strides = [1, 1]} : vector<1024x8192xf32> to vector<1024x128xf32>
    %add3A_379 = arith.addf %add3A_377, %slice3A_378 : vector<1024x128xf32>
    %lt3A_380 = arith.cmpf olt, %add3A_379, %select_n3A_369 : vector<1024x128xf32>
    %select_n3A_381 = arith.select %lt3A_380, %add3A_379, %select_n3A_369 : vector<1024x128xi1>, vector<1024x128xf32>
    %add3A_382 = arith.constant 3840 : i32
    %add3A_383 = vector.broadcast %add3A_382 : i32 to vector<1024x128xi32>
    %add3A_384 = arith.addi %iota3A, %add3A_383 : vector<1024x128xi32>
    %select_n3A_385 = arith.select %lt3A_380, %add3A_384, %select_n3A_373 : vector<1024x128xi1>, vector<1024x128xi32>
    %slice3A_386 = vector.extract_strided_slice %get3A_13 {offsets = [0, 3968], sizes = [1, 128], strides = [1, 1]} : vector<1x8192xf32> to vector<1x128xf32>
    %add3A_387 = vector.broadcast %broadcast_in_dim3A : vector<1024x1xf32> to vector<1024x128xf32>
    %add3A_388 = vector.broadcast %slice3A_386 : vector<1x128xf32> to vector<1024x128xf32>
    %add3A_389 = arith.addf %add3A_387, %add3A_388 : vector<1024x128xf32>
    %slice3A_390 = vector.extract_strided_slice %dot_general3A_8 {offsets = [0, 3968], sizes = [1024, 128], strides = [1, 1]} : vector<1024x8192xf32> to vector<1024x128xf32>
    %add3A_391 = arith.addf %add3A_389, %slice3A_390 : vector<1024x128xf32>
    %lt3A_392 = arith.cmpf olt, %add3A_391, %select_n3A_381 : vector<1024x128xf32>
    %select_n3A_393 = arith.select %lt3A_392, %add3A_391, %select_n3A_381 : vector<1024x128xi1>, vector<1024x128xf32>
    %add3A_394 = arith.constant 3968 : i32
    %add3A_395 = vector.broadcast %add3A_394 : i32 to vector<1024x128xi32>
    %add3A_396 = arith.addi %iota3A, %add3A_395 : vector<1024x128xi32>
    %select_n3A_397 = arith.select %lt3A_392, %add3A_396, %select_n3A_385 : vector<1024x128xi1>, vector<1024x128xi32>
    %reduce_min3A_398 = arith.constant dense<0x7F800000> : vector<1024xf32>
    %reduce_min3A_399 = vector.multi_reduction <minimumf>, %select_n3A_393, %reduce_min3A_398 [1] : vector<1024x128xf32> to vector<1024xf32>
    %broadcast_in_dim3A_400 = vector.shape_cast %reduce_min3A_399 : vector<1024xf32> to vector<1024x1xf32>
    %eq3A_401 = vector.broadcast %broadcast_in_dim3A_400 : vector<1024x1xf32> to vector<1024x128xf32>
    %eq3A_402 = arith.cmpf oeq, %select_n3A_393, %eq3A_401 : vector<1024x128xf32>
    %jit3A_403 = arith.constant 2147483647 : i32
    %broadcast_in_dim3A_404 = vector.broadcast %jit3A_403 : i32 to vector<1024x128xi32>
    %select_n3A_405 = arith.select %eq3A_402, %select_n3A_397, %broadcast_in_dim3A_404 : vector<1024x128xi1>, vector<1024x128xi32>
    %reduce_min3A_406 = arith.constant dense<2147483647> : vector<1024xi32>
    %reduce_min3A_407 = vector.multi_reduction <minsi>, %select_n3A_405, %reduce_min3A_406 [1] : vector<1024x128xi32> to vector<1024xi32>
    %broadcast_in_dim3A_408 = vector.shape_cast %reduce_min3A_407 : vector<1024xi32> to vector<1024x1xi32>
    %convert_element_type3A_409 = arith.truncf %broadcast_in_dim3A_400 : vector<1024x1xf32> to vector<1024x1xbf16>
    %convert_element_type3A_410 = arith.extf %convert_element_type3A_409 : vector<1024x1xbf16> to vector<1024x1xf32>
    %lt3A_411 = arith.cmpf olt, %broadcast_in_dim3A_400, %convert_element_type3A_208 : vector<1024x1xf32>
    %select_n3A_412 = arith.select %lt3A_411, %convert_element_type3A_410, %convert_element_type3A_208 : vector<1024x1xi1>, vector<1024x1xf32>
    %select_n3A_413 = arith.select %lt3A_411, %broadcast_in_dim3A_408, %broadcast_in_dim3A_206 : vector<1024x1xi1>, vector<1024x1xi32>
    %slice3A_414 = vector.extract_strided_slice %get3A_13 {offsets = [0, 4096], sizes = [1, 128], strides = [1, 1]} : vector<1x8192xf32> to vector<1x128xf32>
    %add3A_415 = vector.broadcast %broadcast_in_dim3A : vector<1024x1xf32> to vector<1024x128xf32>
    %add3A_416 = vector.broadcast %slice3A_414 : vector<1x128xf32> to vector<1024x128xf32>
    %add3A_417 = arith.addf %add3A_415, %add3A_416 : vector<1024x128xf32>
    %slice3A_418 = vector.extract_strided_slice %dot_general3A_8 {offsets = [0, 4096], sizes = [1024, 128], strides = [1, 1]} : vector<1024x8192xf32> to vector<1024x128xf32>
    %add3A_419 = arith.addf %add3A_417, %slice3A_418 : vector<1024x128xf32>
    %add3A_420 = arith.constant 4096 : i32
    %add3A_421 = vector.broadcast %add3A_420 : i32 to vector<1024x128xi32>
    %add3A_422 = arith.addi %iota3A, %add3A_421 : vector<1024x128xi32>
    %slice3A_423 = vector.extract_strided_slice %get3A_13 {offsets = [0, 4224], sizes = [1, 128], strides = [1, 1]} : vector<1x8192xf32> to vector<1x128xf32>
    %add3A_424 = vector.broadcast %broadcast_in_dim3A : vector<1024x1xf32> to vector<1024x128xf32>
    %add3A_425 = vector.broadcast %slice3A_423 : vector<1x128xf32> to vector<1024x128xf32>
    %add3A_426 = arith.addf %add3A_424, %add3A_425 : vector<1024x128xf32>
    %slice3A_427 = vector.extract_strided_slice %dot_general3A_8 {offsets = [0, 4224], sizes = [1024, 128], strides = [1, 1]} : vector<1024x8192xf32> to vector<1024x128xf32>
    %add3A_428 = arith.addf %add3A_426, %slice3A_427 : vector<1024x128xf32>
    %lt3A_429 = arith.cmpf olt, %add3A_428, %add3A_419 : vector<1024x128xf32>
    %select_n3A_430 = arith.select %lt3A_429, %add3A_428, %add3A_419 : vector<1024x128xi1>, vector<1024x128xf32>
    %add3A_431 = arith.constant 4224 : i32
    %add3A_432 = vector.broadcast %add3A_431 : i32 to vector<1024x128xi32>
    %add3A_433 = arith.addi %iota3A, %add3A_432 : vector<1024x128xi32>
    %select_n3A_434 = arith.select %lt3A_429, %add3A_433, %add3A_422 : vector<1024x128xi1>, vector<1024x128xi32>
    %slice3A_435 = vector.extract_strided_slice %get3A_13 {offsets = [0, 4352], sizes = [1, 128], strides = [1, 1]} : vector<1x8192xf32> to vector<1x128xf32>
    %add3A_436 = vector.broadcast %broadcast_in_dim3A : vector<1024x1xf32> to vector<1024x128xf32>
    %add3A_437 = vector.broadcast %slice3A_435 : vector<1x128xf32> to vector<1024x128xf32>
    %add3A_438 = arith.addf %add3A_436, %add3A_437 : vector<1024x128xf32>
    %slice3A_439 = vector.extract_strided_slice %dot_general3A_8 {offsets = [0, 4352], sizes = [1024, 128], strides = [1, 1]} : vector<1024x8192xf32> to vector<1024x128xf32>
    %add3A_440 = arith.addf %add3A_438, %slice3A_439 : vector<1024x128xf32>
    %lt3A_441 = arith.cmpf olt, %add3A_440, %select_n3A_430 : vector<1024x128xf32>
    %select_n3A_442 = arith.select %lt3A_441, %add3A_440, %select_n3A_430 : vector<1024x128xi1>, vector<1024x128xf32>
    %add3A_443 = arith.constant 4352 : i32
    %add3A_444 = vector.broadcast %add3A_443 : i32 to vector<1024x128xi32>
    %add3A_445 = arith.addi %iota3A, %add3A_444 : vector<1024x128xi32>
    %select_n3A_446 = arith.select %lt3A_441, %add3A_445, %select_n3A_434 : vector<1024x128xi1>, vector<1024x128xi32>
    %slice3A_447 = vector.extract_strided_slice %get3A_13 {offsets = [0, 4480], sizes = [1, 128], strides = [1, 1]} : vector<1x8192xf32> to vector<1x128xf32>
    %add3A_448 = vector.broadcast %broadcast_in_dim3A : vector<1024x1xf32> to vector<1024x128xf32>
    %add3A_449 = vector.broadcast %slice3A_447 : vector<1x128xf32> to vector<1024x128xf32>
    %add3A_450 = arith.addf %add3A_448, %add3A_449 : vector<1024x128xf32>
    %slice3A_451 = vector.extract_strided_slice %dot_general3A_8 {offsets = [0, 4480], sizes = [1024, 128], strides = [1, 1]} : vector<1024x8192xf32> to vector<1024x128xf32>
    %add3A_452 = arith.addf %add3A_450, %slice3A_451 : vector<1024x128xf32>
    %lt3A_453 = arith.cmpf olt, %add3A_452, %select_n3A_442 : vector<1024x128xf32>
    %select_n3A_454 = arith.select %lt3A_453, %add3A_452, %select_n3A_442 : vector<1024x128xi1>, vector<1024x128xf32>
    %add3A_455 = arith.constant 4480 : i32
    %add3A_456 = vector.broadcast %add3A_455 : i32 to vector<1024x128xi32>
    %add3A_457 = arith.addi %iota3A, %add3A_456 : vector<1024x128xi32>
    %select_n3A_458 = arith.select %lt3A_453, %add3A_457, %select_n3A_446 : vector<1024x128xi1>, vector<1024x128xi32>
    %slice3A_459 = vector.extract_strided_slice %get3A_13 {offsets = [0, 4608], sizes = [1, 128], strides = [1, 1]} : vector<1x8192xf32> to vector<1x128xf32>
    %add3A_460 = vector.broadcast %broadcast_in_dim3A : vector<1024x1xf32> to vector<1024x128xf32>
    %add3A_461 = vector.broadcast %slice3A_459 : vector<1x128xf32> to vector<1024x128xf32>
    %add3A_462 = arith.addf %add3A_460, %add3A_461 : vector<1024x128xf32>
    %slice3A_463 = vector.extract_strided_slice %dot_general3A_8 {offsets = [0, 4608], sizes = [1024, 128], strides = [1, 1]} : vector<1024x8192xf32> to vector<1024x128xf32>
    %add3A_464 = arith.addf %add3A_462, %slice3A_463 : vector<1024x128xf32>
    %lt3A_465 = arith.cmpf olt, %add3A_464, %select_n3A_454 : vector<1024x128xf32>
    %select_n3A_466 = arith.select %lt3A_465, %add3A_464, %select_n3A_454 : vector<1024x128xi1>, vector<1024x128xf32>
    %add3A_467 = arith.constant 4608 : i32
    %add3A_468 = vector.broadcast %add3A_467 : i32 to vector<1024x128xi32>
    %add3A_469 = arith.addi %iota3A, %add3A_468 : vector<1024x128xi32>
    %select_n3A_470 = arith.select %lt3A_465, %add3A_469, %select_n3A_458 : vector<1024x128xi1>, vector<1024x128xi32>
    %slice3A_471 = vector.extract_strided_slice %get3A_13 {offsets = [0, 4736], sizes = [1, 128], strides = [1, 1]} : vector<1x8192xf32> to vector<1x128xf32>
    %add3A_472 = vector.broadcast %broadcast_in_dim3A : vector<1024x1xf32> to vector<1024x128xf32>
    %add3A_473 = vector.broadcast %slice3A_471 : vector<1x128xf32> to vector<1024x128xf32>
    %add3A_474 = arith.addf %add3A_472, %add3A_473 : vector<1024x128xf32>
    %slice3A_475 = vector.extract_strided_slice %dot_general3A_8 {offsets = [0, 4736], sizes = [1024, 128], strides = [1, 1]} : vector<1024x8192xf32> to vector<1024x128xf32>
    %add3A_476 = arith.addf %add3A_474, %slice3A_475 : vector<1024x128xf32>
    %lt3A_477 = arith.cmpf olt, %add3A_476, %select_n3A_466 : vector<1024x128xf32>
    %select_n3A_478 = arith.select %lt3A_477, %add3A_476, %select_n3A_466 : vector<1024x128xi1>, vector<1024x128xf32>
    %add3A_479 = arith.constant 4736 : i32
    %add3A_480 = vector.broadcast %add3A_479 : i32 to vector<1024x128xi32>
    %add3A_481 = arith.addi %iota3A, %add3A_480 : vector<1024x128xi32>
    %select_n3A_482 = arith.select %lt3A_477, %add3A_481, %select_n3A_470 : vector<1024x128xi1>, vector<1024x128xi32>
    %slice3A_483 = vector.extract_strided_slice %get3A_13 {offsets = [0, 4864], sizes = [1, 128], strides = [1, 1]} : vector<1x8192xf32> to vector<1x128xf32>
    %add3A_484 = vector.broadcast %broadcast_in_dim3A : vector<1024x1xf32> to vector<1024x128xf32>
    %add3A_485 = vector.broadcast %slice3A_483 : vector<1x128xf32> to vector<1024x128xf32>
    %add3A_486 = arith.addf %add3A_484, %add3A_485 : vector<1024x128xf32>
    %slice3A_487 = vector.extract_strided_slice %dot_general3A_8 {offsets = [0, 4864], sizes = [1024, 128], strides = [1, 1]} : vector<1024x8192xf32> to vector<1024x128xf32>
    %add3A_488 = arith.addf %add3A_486, %slice3A_487 : vector<1024x128xf32>
    %lt3A_489 = arith.cmpf olt, %add3A_488, %select_n3A_478 : vector<1024x128xf32>
    %select_n3A_490 = arith.select %lt3A_489, %add3A_488, %select_n3A_478 : vector<1024x128xi1>, vector<1024x128xf32>
    %add3A_491 = arith.constant 4864 : i32
    %add3A_492 = vector.broadcast %add3A_491 : i32 to vector<1024x128xi32>
    %add3A_493 = arith.addi %iota3A, %add3A_492 : vector<1024x128xi32>
    %select_n3A_494 = arith.select %lt3A_489, %add3A_493, %select_n3A_482 : vector<1024x128xi1>, vector<1024x128xi32>
    %slice3A_495 = vector.extract_strided_slice %get3A_13 {offsets = [0, 4992], sizes = [1, 128], strides = [1, 1]} : vector<1x8192xf32> to vector<1x128xf32>
    %add3A_496 = vector.broadcast %broadcast_in_dim3A : vector<1024x1xf32> to vector<1024x128xf32>
    %add3A_497 = vector.broadcast %slice3A_495 : vector<1x128xf32> to vector<1024x128xf32>
    %add3A_498 = arith.addf %add3A_496, %add3A_497 : vector<1024x128xf32>
    %slice3A_499 = vector.extract_strided_slice %dot_general3A_8 {offsets = [0, 4992], sizes = [1024, 128], strides = [1, 1]} : vector<1024x8192xf32> to vector<1024x128xf32>
    %add3A_500 = arith.addf %add3A_498, %slice3A_499 : vector<1024x128xf32>
    %lt3A_501 = arith.cmpf olt, %add3A_500, %select_n3A_490 : vector<1024x128xf32>
    %select_n3A_502 = arith.select %lt3A_501, %add3A_500, %select_n3A_490 : vector<1024x128xi1>, vector<1024x128xf32>
    %add3A_503 = arith.constant 4992 : i32
    %add3A_504 = vector.broadcast %add3A_503 : i32 to vector<1024x128xi32>
    %add3A_505 = arith.addi %iota3A, %add3A_504 : vector<1024x128xi32>
    %select_n3A_506 = arith.select %lt3A_501, %add3A_505, %select_n3A_494 : vector<1024x128xi1>, vector<1024x128xi32>
    %slice3A_507 = vector.extract_strided_slice %get3A_13 {offsets = [0, 5120], sizes = [1, 128], strides = [1, 1]} : vector<1x8192xf32> to vector<1x128xf32>
    %add3A_508 = vector.broadcast %broadcast_in_dim3A : vector<1024x1xf32> to vector<1024x128xf32>
    %add3A_509 = vector.broadcast %slice3A_507 : vector<1x128xf32> to vector<1024x128xf32>
    %add3A_510 = arith.addf %add3A_508, %add3A_509 : vector<1024x128xf32>
    %slice3A_511 = vector.extract_strided_slice %dot_general3A_8 {offsets = [0, 5120], sizes = [1024, 128], strides = [1, 1]} : vector<1024x8192xf32> to vector<1024x128xf32>
    %add3A_512 = arith.addf %add3A_510, %slice3A_511 : vector<1024x128xf32>
    %lt3A_513 = arith.cmpf olt, %add3A_512, %select_n3A_502 : vector<1024x128xf32>
    %select_n3A_514 = arith.select %lt3A_513, %add3A_512, %select_n3A_502 : vector<1024x128xi1>, vector<1024x128xf32>
    %add3A_515 = arith.constant 5120 : i32
    %add3A_516 = vector.broadcast %add3A_515 : i32 to vector<1024x128xi32>
    %add3A_517 = arith.addi %iota3A, %add3A_516 : vector<1024x128xi32>
    %select_n3A_518 = arith.select %lt3A_513, %add3A_517, %select_n3A_506 : vector<1024x128xi1>, vector<1024x128xi32>
    %slice3A_519 = vector.extract_strided_slice %get3A_13 {offsets = [0, 5248], sizes = [1, 128], strides = [1, 1]} : vector<1x8192xf32> to vector<1x128xf32>
    %add3A_520 = vector.broadcast %broadcast_in_dim3A : vector<1024x1xf32> to vector<1024x128xf32>
    %add3A_521 = vector.broadcast %slice3A_519 : vector<1x128xf32> to vector<1024x128xf32>
    %add3A_522 = arith.addf %add3A_520, %add3A_521 : vector<1024x128xf32>
    %slice3A_523 = vector.extract_strided_slice %dot_general3A_8 {offsets = [0, 5248], sizes = [1024, 128], strides = [1, 1]} : vector<1024x8192xf32> to vector<1024x128xf32>
    %add3A_524 = arith.addf %add3A_522, %slice3A_523 : vector<1024x128xf32>
    %lt3A_525 = arith.cmpf olt, %add3A_524, %select_n3A_514 : vector<1024x128xf32>
    %select_n3A_526 = arith.select %lt3A_525, %add3A_524, %select_n3A_514 : vector<1024x128xi1>, vector<1024x128xf32>
    %add3A_527 = arith.constant 5248 : i32
    %add3A_528 = vector.broadcast %add3A_527 : i32 to vector<1024x128xi32>
    %add3A_529 = arith.addi %iota3A, %add3A_528 : vector<1024x128xi32>
    %select_n3A_530 = arith.select %lt3A_525, %add3A_529, %select_n3A_518 : vector<1024x128xi1>, vector<1024x128xi32>
    %slice3A_531 = vector.extract_strided_slice %get3A_13 {offsets = [0, 5376], sizes = [1, 128], strides = [1, 1]} : vector<1x8192xf32> to vector<1x128xf32>
    %add3A_532 = vector.broadcast %broadcast_in_dim3A : vector<1024x1xf32> to vector<1024x128xf32>
    %add3A_533 = vector.broadcast %slice3A_531 : vector<1x128xf32> to vector<1024x128xf32>
    %add3A_534 = arith.addf %add3A_532, %add3A_533 : vector<1024x128xf32>
    %slice3A_535 = vector.extract_strided_slice %dot_general3A_8 {offsets = [0, 5376], sizes = [1024, 128], strides = [1, 1]} : vector<1024x8192xf32> to vector<1024x128xf32>
    %add3A_536 = arith.addf %add3A_534, %slice3A_535 : vector<1024x128xf32>
    %lt3A_537 = arith.cmpf olt, %add3A_536, %select_n3A_526 : vector<1024x128xf32>
    %select_n3A_538 = arith.select %lt3A_537, %add3A_536, %select_n3A_526 : vector<1024x128xi1>, vector<1024x128xf32>
    %add3A_539 = arith.constant 5376 : i32
    %add3A_540 = vector.broadcast %add3A_539 : i32 to vector<1024x128xi32>
    %add3A_541 = arith.addi %iota3A, %add3A_540 : vector<1024x128xi32>
    %select_n3A_542 = arith.select %lt3A_537, %add3A_541, %select_n3A_530 : vector<1024x128xi1>, vector<1024x128xi32>
    %slice3A_543 = vector.extract_strided_slice %get3A_13 {offsets = [0, 5504], sizes = [1, 128], strides = [1, 1]} : vector<1x8192xf32> to vector<1x128xf32>
    %add3A_544 = vector.broadcast %broadcast_in_dim3A : vector<1024x1xf32> to vector<1024x128xf32>
    %add3A_545 = vector.broadcast %slice3A_543 : vector<1x128xf32> to vector<1024x128xf32>
    %add3A_546 = arith.addf %add3A_544, %add3A_545 : vector<1024x128xf32>
    %slice3A_547 = vector.extract_strided_slice %dot_general3A_8 {offsets = [0, 5504], sizes = [1024, 128], strides = [1, 1]} : vector<1024x8192xf32> to vector<1024x128xf32>
    %add3A_548 = arith.addf %add3A_546, %slice3A_547 : vector<1024x128xf32>
    %lt3A_549 = arith.cmpf olt, %add3A_548, %select_n3A_538 : vector<1024x128xf32>
    %select_n3A_550 = arith.select %lt3A_549, %add3A_548, %select_n3A_538 : vector<1024x128xi1>, vector<1024x128xf32>
    %add3A_551 = arith.constant 5504 : i32
    %add3A_552 = vector.broadcast %add3A_551 : i32 to vector<1024x128xi32>
    %add3A_553 = arith.addi %iota3A, %add3A_552 : vector<1024x128xi32>
    %select_n3A_554 = arith.select %lt3A_549, %add3A_553, %select_n3A_542 : vector<1024x128xi1>, vector<1024x128xi32>
    %slice3A_555 = vector.extract_strided_slice %get3A_13 {offsets = [0, 5632], sizes = [1, 128], strides = [1, 1]} : vector<1x8192xf32> to vector<1x128xf32>
    %add3A_556 = vector.broadcast %broadcast_in_dim3A : vector<1024x1xf32> to vector<1024x128xf32>
    %add3A_557 = vector.broadcast %slice3A_555 : vector<1x128xf32> to vector<1024x128xf32>
    %add3A_558 = arith.addf %add3A_556, %add3A_557 : vector<1024x128xf32>
    %slice3A_559 = vector.extract_strided_slice %dot_general3A_8 {offsets = [0, 5632], sizes = [1024, 128], strides = [1, 1]} : vector<1024x8192xf32> to vector<1024x128xf32>
    %add3A_560 = arith.addf %add3A_558, %slice3A_559 : vector<1024x128xf32>
    %lt3A_561 = arith.cmpf olt, %add3A_560, %select_n3A_550 : vector<1024x128xf32>
    %select_n3A_562 = arith.select %lt3A_561, %add3A_560, %select_n3A_550 : vector<1024x128xi1>, vector<1024x128xf32>
    %add3A_563 = arith.constant 5632 : i32
    %add3A_564 = vector.broadcast %add3A_563 : i32 to vector<1024x128xi32>
    %add3A_565 = arith.addi %iota3A, %add3A_564 : vector<1024x128xi32>
    %select_n3A_566 = arith.select %lt3A_561, %add3A_565, %select_n3A_554 : vector<1024x128xi1>, vector<1024x128xi32>
    %slice3A_567 = vector.extract_strided_slice %get3A_13 {offsets = [0, 5760], sizes = [1, 128], strides = [1, 1]} : vector<1x8192xf32> to vector<1x128xf32>
    %add3A_568 = vector.broadcast %broadcast_in_dim3A : vector<1024x1xf32> to vector<1024x128xf32>
    %add3A_569 = vector.broadcast %slice3A_567 : vector<1x128xf32> to vector<1024x128xf32>
    %add3A_570 = arith.addf %add3A_568, %add3A_569 : vector<1024x128xf32>
    %slice3A_571 = vector.extract_strided_slice %dot_general3A_8 {offsets = [0, 5760], sizes = [1024, 128], strides = [1, 1]} : vector<1024x8192xf32> to vector<1024x128xf32>
    %add3A_572 = arith.addf %add3A_570, %slice3A_571 : vector<1024x128xf32>
    %lt3A_573 = arith.cmpf olt, %add3A_572, %select_n3A_562 : vector<1024x128xf32>
    %select_n3A_574 = arith.select %lt3A_573, %add3A_572, %select_n3A_562 : vector<1024x128xi1>, vector<1024x128xf32>
    %add3A_575 = arith.constant 5760 : i32
    %add3A_576 = vector.broadcast %add3A_575 : i32 to vector<1024x128xi32>
    %add3A_577 = arith.addi %iota3A, %add3A_576 : vector<1024x128xi32>
    %select_n3A_578 = arith.select %lt3A_573, %add3A_577, %select_n3A_566 : vector<1024x128xi1>, vector<1024x128xi32>
    %slice3A_579 = vector.extract_strided_slice %get3A_13 {offsets = [0, 5888], sizes = [1, 128], strides = [1, 1]} : vector<1x8192xf32> to vector<1x128xf32>
    %add3A_580 = vector.broadcast %broadcast_in_dim3A : vector<1024x1xf32> to vector<1024x128xf32>
    %add3A_581 = vector.broadcast %slice3A_579 : vector<1x128xf32> to vector<1024x128xf32>
    %add3A_582 = arith.addf %add3A_580, %add3A_581 : vector<1024x128xf32>
    %slice3A_583 = vector.extract_strided_slice %dot_general3A_8 {offsets = [0, 5888], sizes = [1024, 128], strides = [1, 1]} : vector<1024x8192xf32> to vector<1024x128xf32>
    %add3A_584 = arith.addf %add3A_582, %slice3A_583 : vector<1024x128xf32>
    %lt3A_585 = arith.cmpf olt, %add3A_584, %select_n3A_574 : vector<1024x128xf32>
    %select_n3A_586 = arith.select %lt3A_585, %add3A_584, %select_n3A_574 : vector<1024x128xi1>, vector<1024x128xf32>
    %add3A_587 = arith.constant 5888 : i32
    %add3A_588 = vector.broadcast %add3A_587 : i32 to vector<1024x128xi32>
    %add3A_589 = arith.addi %iota3A, %add3A_588 : vector<1024x128xi32>
    %select_n3A_590 = arith.select %lt3A_585, %add3A_589, %select_n3A_578 : vector<1024x128xi1>, vector<1024x128xi32>
    %slice3A_591 = vector.extract_strided_slice %get3A_13 {offsets = [0, 6016], sizes = [1, 128], strides = [1, 1]} : vector<1x8192xf32> to vector<1x128xf32>
    %add3A_592 = vector.broadcast %broadcast_in_dim3A : vector<1024x1xf32> to vector<1024x128xf32>
    %add3A_593 = vector.broadcast %slice3A_591 : vector<1x128xf32> to vector<1024x128xf32>
    %add3A_594 = arith.addf %add3A_592, %add3A_593 : vector<1024x128xf32>
    %slice3A_595 = vector.extract_strided_slice %dot_general3A_8 {offsets = [0, 6016], sizes = [1024, 128], strides = [1, 1]} : vector<1024x8192xf32> to vector<1024x128xf32>
    %add3A_596 = arith.addf %add3A_594, %slice3A_595 : vector<1024x128xf32>
    %lt3A_597 = arith.cmpf olt, %add3A_596, %select_n3A_586 : vector<1024x128xf32>
    %select_n3A_598 = arith.select %lt3A_597, %add3A_596, %select_n3A_586 : vector<1024x128xi1>, vector<1024x128xf32>
    %add3A_599 = arith.constant 6016 : i32
    %add3A_600 = vector.broadcast %add3A_599 : i32 to vector<1024x128xi32>
    %add3A_601 = arith.addi %iota3A, %add3A_600 : vector<1024x128xi32>
    %select_n3A_602 = arith.select %lt3A_597, %add3A_601, %select_n3A_590 : vector<1024x128xi1>, vector<1024x128xi32>
    %reduce_min3A_603 = arith.constant dense<0x7F800000> : vector<1024xf32>
    %reduce_min3A_604 = vector.multi_reduction <minimumf>, %select_n3A_598, %reduce_min3A_603 [1] : vector<1024x128xf32> to vector<1024xf32>
    %broadcast_in_dim3A_605 = vector.shape_cast %reduce_min3A_604 : vector<1024xf32> to vector<1024x1xf32>
    %eq3A_606 = vector.broadcast %broadcast_in_dim3A_605 : vector<1024x1xf32> to vector<1024x128xf32>
    %eq3A_607 = arith.cmpf oeq, %select_n3A_598, %eq3A_606 : vector<1024x128xf32>
    %jit3A_608 = arith.constant 2147483647 : i32
    %broadcast_in_dim3A_609 = vector.broadcast %jit3A_608 : i32 to vector<1024x128xi32>
    %select_n3A_610 = arith.select %eq3A_607, %select_n3A_602, %broadcast_in_dim3A_609 : vector<1024x128xi1>, vector<1024x128xi32>
    %reduce_min3A_611 = arith.constant dense<2147483647> : vector<1024xi32>
    %reduce_min3A_612 = vector.multi_reduction <minsi>, %select_n3A_610, %reduce_min3A_611 [1] : vector<1024x128xi32> to vector<1024xi32>
    %broadcast_in_dim3A_613 = vector.shape_cast %reduce_min3A_612 : vector<1024xi32> to vector<1024x1xi32>
    %convert_element_type3A_614 = arith.truncf %broadcast_in_dim3A_605 : vector<1024x1xf32> to vector<1024x1xbf16>
    %convert_element_type3A_615 = arith.extf %convert_element_type3A_614 : vector<1024x1xbf16> to vector<1024x1xf32>
    %lt3A_616 = arith.cmpf olt, %broadcast_in_dim3A_605, %select_n3A_412 : vector<1024x1xf32>
    %select_n3A_617 = arith.select %lt3A_616, %convert_element_type3A_615, %select_n3A_412 : vector<1024x1xi1>, vector<1024x1xf32>
    %select_n3A_618 = arith.select %lt3A_616, %broadcast_in_dim3A_613, %select_n3A_413 : vector<1024x1xi1>, vector<1024x1xi32>
    %slice3A_619 = vector.extract_strided_slice %get3A_13 {offsets = [0, 6144], sizes = [1, 128], strides = [1, 1]} : vector<1x8192xf32> to vector<1x128xf32>
    %add3A_620 = vector.broadcast %broadcast_in_dim3A : vector<1024x1xf32> to vector<1024x128xf32>
    %add3A_621 = vector.broadcast %slice3A_619 : vector<1x128xf32> to vector<1024x128xf32>
    %add3A_622 = arith.addf %add3A_620, %add3A_621 : vector<1024x128xf32>
    %slice3A_623 = vector.extract_strided_slice %dot_general3A_8 {offsets = [0, 6144], sizes = [1024, 128], strides = [1, 1]} : vector<1024x8192xf32> to vector<1024x128xf32>
    %add3A_624 = arith.addf %add3A_622, %slice3A_623 : vector<1024x128xf32>
    %add3A_625 = arith.constant 6144 : i32
    %add3A_626 = vector.broadcast %add3A_625 : i32 to vector<1024x128xi32>
    %add3A_627 = arith.addi %iota3A, %add3A_626 : vector<1024x128xi32>
    %slice3A_628 = vector.extract_strided_slice %get3A_13 {offsets = [0, 6272], sizes = [1, 128], strides = [1, 1]} : vector<1x8192xf32> to vector<1x128xf32>
    %add3A_629 = vector.broadcast %broadcast_in_dim3A : vector<1024x1xf32> to vector<1024x128xf32>
    %add3A_630 = vector.broadcast %slice3A_628 : vector<1x128xf32> to vector<1024x128xf32>
    %add3A_631 = arith.addf %add3A_629, %add3A_630 : vector<1024x128xf32>
    %slice3A_632 = vector.extract_strided_slice %dot_general3A_8 {offsets = [0, 6272], sizes = [1024, 128], strides = [1, 1]} : vector<1024x8192xf32> to vector<1024x128xf32>
    %add3A_633 = arith.addf %add3A_631, %slice3A_632 : vector<1024x128xf32>
    %lt3A_634 = arith.cmpf olt, %add3A_633, %add3A_624 : vector<1024x128xf32>
    %select_n3A_635 = arith.select %lt3A_634, %add3A_633, %add3A_624 : vector<1024x128xi1>, vector<1024x128xf32>
    %add3A_636 = arith.constant 6272 : i32
    %add3A_637 = vector.broadcast %add3A_636 : i32 to vector<1024x128xi32>
    %add3A_638 = arith.addi %iota3A, %add3A_637 : vector<1024x128xi32>
    %select_n3A_639 = arith.select %lt3A_634, %add3A_638, %add3A_627 : vector<1024x128xi1>, vector<1024x128xi32>
    %slice3A_640 = vector.extract_strided_slice %get3A_13 {offsets = [0, 6400], sizes = [1, 128], strides = [1, 1]} : vector<1x8192xf32> to vector<1x128xf32>
    %add3A_641 = vector.broadcast %broadcast_in_dim3A : vector<1024x1xf32> to vector<1024x128xf32>
    %add3A_642 = vector.broadcast %slice3A_640 : vector<1x128xf32> to vector<1024x128xf32>
    %add3A_643 = arith.addf %add3A_641, %add3A_642 : vector<1024x128xf32>
    %slice3A_644 = vector.extract_strided_slice %dot_general3A_8 {offsets = [0, 6400], sizes = [1024, 128], strides = [1, 1]} : vector<1024x8192xf32> to vector<1024x128xf32>
    %add3A_645 = arith.addf %add3A_643, %slice3A_644 : vector<1024x128xf32>
    %lt3A_646 = arith.cmpf olt, %add3A_645, %select_n3A_635 : vector<1024x128xf32>
    %select_n3A_647 = arith.select %lt3A_646, %add3A_645, %select_n3A_635 : vector<1024x128xi1>, vector<1024x128xf32>
    %add3A_648 = arith.constant 6400 : i32
    %add3A_649 = vector.broadcast %add3A_648 : i32 to vector<1024x128xi32>
    %add3A_650 = arith.addi %iota3A, %add3A_649 : vector<1024x128xi32>
    %select_n3A_651 = arith.select %lt3A_646, %add3A_650, %select_n3A_639 : vector<1024x128xi1>, vector<1024x128xi32>
    %slice3A_652 = vector.extract_strided_slice %get3A_13 {offsets = [0, 6528], sizes = [1, 128], strides = [1, 1]} : vector<1x8192xf32> to vector<1x128xf32>
    %add3A_653 = vector.broadcast %broadcast_in_dim3A : vector<1024x1xf32> to vector<1024x128xf32>
    %add3A_654 = vector.broadcast %slice3A_652 : vector<1x128xf32> to vector<1024x128xf32>
    %add3A_655 = arith.addf %add3A_653, %add3A_654 : vector<1024x128xf32>
    %slice3A_656 = vector.extract_strided_slice %dot_general3A_8 {offsets = [0, 6528], sizes = [1024, 128], strides = [1, 1]} : vector<1024x8192xf32> to vector<1024x128xf32>
    %add3A_657 = arith.addf %add3A_655, %slice3A_656 : vector<1024x128xf32>
    %lt3A_658 = arith.cmpf olt, %add3A_657, %select_n3A_647 : vector<1024x128xf32>
    %select_n3A_659 = arith.select %lt3A_658, %add3A_657, %select_n3A_647 : vector<1024x128xi1>, vector<1024x128xf32>
    %add3A_660 = arith.constant 6528 : i32
    %add3A_661 = vector.broadcast %add3A_660 : i32 to vector<1024x128xi32>
    %add3A_662 = arith.addi %iota3A, %add3A_661 : vector<1024x128xi32>
    %select_n3A_663 = arith.select %lt3A_658, %add3A_662, %select_n3A_651 : vector<1024x128xi1>, vector<1024x128xi32>
    %slice3A_664 = vector.extract_strided_slice %get3A_13 {offsets = [0, 6656], sizes = [1, 128], strides = [1, 1]} : vector<1x8192xf32> to vector<1x128xf32>
    %add3A_665 = vector.broadcast %broadcast_in_dim3A : vector<1024x1xf32> to vector<1024x128xf32>
    %add3A_666 = vector.broadcast %slice3A_664 : vector<1x128xf32> to vector<1024x128xf32>
    %add3A_667 = arith.addf %add3A_665, %add3A_666 : vector<1024x128xf32>
    %slice3A_668 = vector.extract_strided_slice %dot_general3A_8 {offsets = [0, 6656], sizes = [1024, 128], strides = [1, 1]} : vector<1024x8192xf32> to vector<1024x128xf32>
    %add3A_669 = arith.addf %add3A_667, %slice3A_668 : vector<1024x128xf32>
    %lt3A_670 = arith.cmpf olt, %add3A_669, %select_n3A_659 : vector<1024x128xf32>
    %select_n3A_671 = arith.select %lt3A_670, %add3A_669, %select_n3A_659 : vector<1024x128xi1>, vector<1024x128xf32>
    %add3A_672 = arith.constant 6656 : i32
    %add3A_673 = vector.broadcast %add3A_672 : i32 to vector<1024x128xi32>
    %add3A_674 = arith.addi %iota3A, %add3A_673 : vector<1024x128xi32>
    %select_n3A_675 = arith.select %lt3A_670, %add3A_674, %select_n3A_663 : vector<1024x128xi1>, vector<1024x128xi32>
    %slice3A_676 = vector.extract_strided_slice %get3A_13 {offsets = [0, 6784], sizes = [1, 128], strides = [1, 1]} : vector<1x8192xf32> to vector<1x128xf32>
    %add3A_677 = vector.broadcast %broadcast_in_dim3A : vector<1024x1xf32> to vector<1024x128xf32>
    %add3A_678 = vector.broadcast %slice3A_676 : vector<1x128xf32> to vector<1024x128xf32>
    %add3A_679 = arith.addf %add3A_677, %add3A_678 : vector<1024x128xf32>
    %slice3A_680 = vector.extract_strided_slice %dot_general3A_8 {offsets = [0, 6784], sizes = [1024, 128], strides = [1, 1]} : vector<1024x8192xf32> to vector<1024x128xf32>
    %add3A_681 = arith.addf %add3A_679, %slice3A_680 : vector<1024x128xf32>
    %lt3A_682 = arith.cmpf olt, %add3A_681, %select_n3A_671 : vector<1024x128xf32>
    %select_n3A_683 = arith.select %lt3A_682, %add3A_681, %select_n3A_671 : vector<1024x128xi1>, vector<1024x128xf32>
    %add3A_684 = arith.constant 6784 : i32
    %add3A_685 = vector.broadcast %add3A_684 : i32 to vector<1024x128xi32>
    %add3A_686 = arith.addi %iota3A, %add3A_685 : vector<1024x128xi32>
    %select_n3A_687 = arith.select %lt3A_682, %add3A_686, %select_n3A_675 : vector<1024x128xi1>, vector<1024x128xi32>
    %slice3A_688 = vector.extract_strided_slice %get3A_13 {offsets = [0, 6912], sizes = [1, 128], strides = [1, 1]} : vector<1x8192xf32> to vector<1x128xf32>
    %add3A_689 = vector.broadcast %broadcast_in_dim3A : vector<1024x1xf32> to vector<1024x128xf32>
    %add3A_690 = vector.broadcast %slice3A_688 : vector<1x128xf32> to vector<1024x128xf32>
    %add3A_691 = arith.addf %add3A_689, %add3A_690 : vector<1024x128xf32>
    %slice3A_692 = vector.extract_strided_slice %dot_general3A_8 {offsets = [0, 6912], sizes = [1024, 128], strides = [1, 1]} : vector<1024x8192xf32> to vector<1024x128xf32>
    %add3A_693 = arith.addf %add3A_691, %slice3A_692 : vector<1024x128xf32>
    %lt3A_694 = arith.cmpf olt, %add3A_693, %select_n3A_683 : vector<1024x128xf32>
    %select_n3A_695 = arith.select %lt3A_694, %add3A_693, %select_n3A_683 : vector<1024x128xi1>, vector<1024x128xf32>
    %add3A_696 = arith.constant 6912 : i32
    %add3A_697 = vector.broadcast %add3A_696 : i32 to vector<1024x128xi32>
    %add3A_698 = arith.addi %iota3A, %add3A_697 : vector<1024x128xi32>
    %select_n3A_699 = arith.select %lt3A_694, %add3A_698, %select_n3A_687 : vector<1024x128xi1>, vector<1024x128xi32>
    %slice3A_700 = vector.extract_strided_slice %get3A_13 {offsets = [0, 7040], sizes = [1, 128], strides = [1, 1]} : vector<1x8192xf32> to vector<1x128xf32>
    %add3A_701 = vector.broadcast %broadcast_in_dim3A : vector<1024x1xf32> to vector<1024x128xf32>
    %add3A_702 = vector.broadcast %slice3A_700 : vector<1x128xf32> to vector<1024x128xf32>
    %add3A_703 = arith.addf %add3A_701, %add3A_702 : vector<1024x128xf32>
    %slice3A_704 = vector.extract_strided_slice %dot_general3A_8 {offsets = [0, 7040], sizes = [1024, 128], strides = [1, 1]} : vector<1024x8192xf32> to vector<1024x128xf32>
    %add3A_705 = arith.addf %add3A_703, %slice3A_704 : vector<1024x128xf32>
    %lt3A_706 = arith.cmpf olt, %add3A_705, %select_n3A_695 : vector<1024x128xf32>
    %select_n3A_707 = arith.select %lt3A_706, %add3A_705, %select_n3A_695 : vector<1024x128xi1>, vector<1024x128xf32>
    %add3A_708 = arith.constant 7040 : i32
    %add3A_709 = vector.broadcast %add3A_708 : i32 to vector<1024x128xi32>
    %add3A_710 = arith.addi %iota3A, %add3A_709 : vector<1024x128xi32>
    %select_n3A_711 = arith.select %lt3A_706, %add3A_710, %select_n3A_699 : vector<1024x128xi1>, vector<1024x128xi32>
    %slice3A_712 = vector.extract_strided_slice %get3A_13 {offsets = [0, 7168], sizes = [1, 128], strides = [1, 1]} : vector<1x8192xf32> to vector<1x128xf32>
    %add3A_713 = vector.broadcast %broadcast_in_dim3A : vector<1024x1xf32> to vector<1024x128xf32>
    %add3A_714 = vector.broadcast %slice3A_712 : vector<1x128xf32> to vector<1024x128xf32>
    %add3A_715 = arith.addf %add3A_713, %add3A_714 : vector<1024x128xf32>
    %slice3A_716 = vector.extract_strided_slice %dot_general3A_8 {offsets = [0, 7168], sizes = [1024, 128], strides = [1, 1]} : vector<1024x8192xf32> to vector<1024x128xf32>
    %add3A_717 = arith.addf %add3A_715, %slice3A_716 : vector<1024x128xf32>
    %lt3A_718 = arith.cmpf olt, %add3A_717, %select_n3A_707 : vector<1024x128xf32>
    %select_n3A_719 = arith.select %lt3A_718, %add3A_717, %select_n3A_707 : vector<1024x128xi1>, vector<1024x128xf32>
    %add3A_720 = arith.constant 7168 : i32
    %add3A_721 = vector.broadcast %add3A_720 : i32 to vector<1024x128xi32>
    %add3A_722 = arith.addi %iota3A, %add3A_721 : vector<1024x128xi32>
    %select_n3A_723 = arith.select %lt3A_718, %add3A_722, %select_n3A_711 : vector<1024x128xi1>, vector<1024x128xi32>
    %slice3A_724 = vector.extract_strided_slice %get3A_13 {offsets = [0, 7296], sizes = [1, 128], strides = [1, 1]} : vector<1x8192xf32> to vector<1x128xf32>
    %add3A_725 = vector.broadcast %broadcast_in_dim3A : vector<1024x1xf32> to vector<1024x128xf32>
    %add3A_726 = vector.broadcast %slice3A_724 : vector<1x128xf32> to vector<1024x128xf32>
    %add3A_727 = arith.addf %add3A_725, %add3A_726 : vector<1024x128xf32>
    %slice3A_728 = vector.extract_strided_slice %dot_general3A_8 {offsets = [0, 7296], sizes = [1024, 128], strides = [1, 1]} : vector<1024x8192xf32> to vector<1024x128xf32>
    %add3A_729 = arith.addf %add3A_727, %slice3A_728 : vector<1024x128xf32>
    %lt3A_730 = arith.cmpf olt, %add3A_729, %select_n3A_719 : vector<1024x128xf32>
    %select_n3A_731 = arith.select %lt3A_730, %add3A_729, %select_n3A_719 : vector<1024x128xi1>, vector<1024x128xf32>
    %add3A_732 = arith.constant 7296 : i32
    %add3A_733 = vector.broadcast %add3A_732 : i32 to vector<1024x128xi32>
    %add3A_734 = arith.addi %iota3A, %add3A_733 : vector<1024x128xi32>
    %select_n3A_735 = arith.select %lt3A_730, %add3A_734, %select_n3A_723 : vector<1024x128xi1>, vector<1024x128xi32>
    %slice3A_736 = vector.extract_strided_slice %get3A_13 {offsets = [0, 7424], sizes = [1, 128], strides = [1, 1]} : vector<1x8192xf32> to vector<1x128xf32>
    %add3A_737 = vector.broadcast %broadcast_in_dim3A : vector<1024x1xf32> to vector<1024x128xf32>
    %add3A_738 = vector.broadcast %slice3A_736 : vector<1x128xf32> to vector<1024x128xf32>
    %add3A_739 = arith.addf %add3A_737, %add3A_738 : vector<1024x128xf32>
    %slice3A_740 = vector.extract_strided_slice %dot_general3A_8 {offsets = [0, 7424], sizes = [1024, 128], strides = [1, 1]} : vector<1024x8192xf32> to vector<1024x128xf32>
    %add3A_741 = arith.addf %add3A_739, %slice3A_740 : vector<1024x128xf32>
    %lt3A_742 = arith.cmpf olt, %add3A_741, %select_n3A_731 : vector<1024x128xf32>
    %select_n3A_743 = arith.select %lt3A_742, %add3A_741, %select_n3A_731 : vector<1024x128xi1>, vector<1024x128xf32>
    %add3A_744 = arith.constant 7424 : i32
    %add3A_745 = vector.broadcast %add3A_744 : i32 to vector<1024x128xi32>
    %add3A_746 = arith.addi %iota3A, %add3A_745 : vector<1024x128xi32>
    %select_n3A_747 = arith.select %lt3A_742, %add3A_746, %select_n3A_735 : vector<1024x128xi1>, vector<1024x128xi32>
    %slice3A_748 = vector.extract_strided_slice %get3A_13 {offsets = [0, 7552], sizes = [1, 128], strides = [1, 1]} : vector<1x8192xf32> to vector<1x128xf32>
    %add3A_749 = vector.broadcast %broadcast_in_dim3A : vector<1024x1xf32> to vector<1024x128xf32>
    %add3A_750 = vector.broadcast %slice3A_748 : vector<1x128xf32> to vector<1024x128xf32>
    %add3A_751 = arith.addf %add3A_749, %add3A_750 : vector<1024x128xf32>
    %slice3A_752 = vector.extract_strided_slice %dot_general3A_8 {offsets = [0, 7552], sizes = [1024, 128], strides = [1, 1]} : vector<1024x8192xf32> to vector<1024x128xf32>
    %add3A_753 = arith.addf %add3A_751, %slice3A_752 : vector<1024x128xf32>
    %lt3A_754 = arith.cmpf olt, %add3A_753, %select_n3A_743 : vector<1024x128xf32>
    %select_n3A_755 = arith.select %lt3A_754, %add3A_753, %select_n3A_743 : vector<1024x128xi1>, vector<1024x128xf32>
    %add3A_756 = arith.constant 7552 : i32
    %add3A_757 = vector.broadcast %add3A_756 : i32 to vector<1024x128xi32>
    %add3A_758 = arith.addi %iota3A, %add3A_757 : vector<1024x128xi32>
    %select_n3A_759 = arith.select %lt3A_754, %add3A_758, %select_n3A_747 : vector<1024x128xi1>, vector<1024x128xi32>
    %slice3A_760 = vector.extract_strided_slice %get3A_13 {offsets = [0, 7680], sizes = [1, 128], strides = [1, 1]} : vector<1x8192xf32> to vector<1x128xf32>
    %add3A_761 = vector.broadcast %broadcast_in_dim3A : vector<1024x1xf32> to vector<1024x128xf32>
    %add3A_762 = vector.broadcast %slice3A_760 : vector<1x128xf32> to vector<1024x128xf32>
    %add3A_763 = arith.addf %add3A_761, %add3A_762 : vector<1024x128xf32>
    %slice3A_764 = vector.extract_strided_slice %dot_general3A_8 {offsets = [0, 7680], sizes = [1024, 128], strides = [1, 1]} : vector<1024x8192xf32> to vector<1024x128xf32>
    %add3A_765 = arith.addf %add3A_763, %slice3A_764 : vector<1024x128xf32>
    %lt3A_766 = arith.cmpf olt, %add3A_765, %select_n3A_755 : vector<1024x128xf32>
    %select_n3A_767 = arith.select %lt3A_766, %add3A_765, %select_n3A_755 : vector<1024x128xi1>, vector<1024x128xf32>
    %add3A_768 = arith.constant 7680 : i32
    %add3A_769 = vector.broadcast %add3A_768 : i32 to vector<1024x128xi32>
    %add3A_770 = arith.addi %iota3A, %add3A_769 : vector<1024x128xi32>
    %select_n3A_771 = arith.select %lt3A_766, %add3A_770, %select_n3A_759 : vector<1024x128xi1>, vector<1024x128xi32>
    %slice3A_772 = vector.extract_strided_slice %get3A_13 {offsets = [0, 7808], sizes = [1, 128], strides = [1, 1]} : vector<1x8192xf32> to vector<1x128xf32>
    %add3A_773 = vector.broadcast %broadcast_in_dim3A : vector<1024x1xf32> to vector<1024x128xf32>
    %add3A_774 = vector.broadcast %slice3A_772 : vector<1x128xf32> to vector<1024x128xf32>
    %add3A_775 = arith.addf %add3A_773, %add3A_774 : vector<1024x128xf32>
    %slice3A_776 = vector.extract_strided_slice %dot_general3A_8 {offsets = [0, 7808], sizes = [1024, 128], strides = [1, 1]} : vector<1024x8192xf32> to vector<1024x128xf32>
    %add3A_777 = arith.addf %add3A_775, %slice3A_776 : vector<1024x128xf32>
    %lt3A_778 = arith.cmpf olt, %add3A_777, %select_n3A_767 : vector<1024x128xf32>
    %select_n3A_779 = arith.select %lt3A_778, %add3A_777, %select_n3A_767 : vector<1024x128xi1>, vector<1024x128xf32>
    %add3A_780 = arith.constant 7808 : i32
    %add3A_781 = vector.broadcast %add3A_780 : i32 to vector<1024x128xi32>
    %add3A_782 = arith.addi %iota3A, %add3A_781 : vector<1024x128xi32>
    %select_n3A_783 = arith.select %lt3A_778, %add3A_782, %select_n3A_771 : vector<1024x128xi1>, vector<1024x128xi32>
    %slice3A_784 = vector.extract_strided_slice %get3A_13 {offsets = [0, 7936], sizes = [1, 128], strides = [1, 1]} : vector<1x8192xf32> to vector<1x128xf32>
    %add3A_785 = vector.broadcast %broadcast_in_dim3A : vector<1024x1xf32> to vector<1024x128xf32>
    %add3A_786 = vector.broadcast %slice3A_784 : vector<1x128xf32> to vector<1024x128xf32>
    %add3A_787 = arith.addf %add3A_785, %add3A_786 : vector<1024x128xf32>
    %slice3A_788 = vector.extract_strided_slice %dot_general3A_8 {offsets = [0, 7936], sizes = [1024, 128], strides = [1, 1]} : vector<1024x8192xf32> to vector<1024x128xf32>
    %add3A_789 = arith.addf %add3A_787, %slice3A_788 : vector<1024x128xf32>
    %lt3A_790 = arith.cmpf olt, %add3A_789, %select_n3A_779 : vector<1024x128xf32>
    %select_n3A_791 = arith.select %lt3A_790, %add3A_789, %select_n3A_779 : vector<1024x128xi1>, vector<1024x128xf32>
    %add3A_792 = arith.constant 7936 : i32
    %add3A_793 = vector.broadcast %add3A_792 : i32 to vector<1024x128xi32>
    %add3A_794 = arith.addi %iota3A, %add3A_793 : vector<1024x128xi32>
    %select_n3A_795 = arith.select %lt3A_790, %add3A_794, %select_n3A_783 : vector<1024x128xi1>, vector<1024x128xi32>
    %slice3A_796 = vector.extract_strided_slice %get3A_13 {offsets = [0, 8064], sizes = [1, 128], strides = [1, 1]} : vector<1x8192xf32> to vector<1x128xf32>
    %add3A_797 = vector.broadcast %broadcast_in_dim3A : vector<1024x1xf32> to vector<1024x128xf32>
    %add3A_798 = vector.broadcast %slice3A_796 : vector<1x128xf32> to vector<1024x128xf32>
    %add3A_799 = arith.addf %add3A_797, %add3A_798 : vector<1024x128xf32>
    %slice3A_800 = vector.extract_strided_slice %dot_general3A_8 {offsets = [0, 8064], sizes = [1024, 128], strides = [1, 1]} : vector<1024x8192xf32> to vector<1024x128xf32>
    %add3A_801 = arith.addf %add3A_799, %slice3A_800 : vector<1024x128xf32>
    %lt3A_802 = arith.cmpf olt, %add3A_801, %select_n3A_791 : vector<1024x128xf32>
    %select_n3A_803 = arith.select %lt3A_802, %add3A_801, %select_n3A_791 : vector<1024x128xi1>, vector<1024x128xf32>
    %add3A_804 = arith.constant 8064 : i32
    %add3A_805 = vector.broadcast %add3A_804 : i32 to vector<1024x128xi32>
    %add3A_806 = arith.addi %iota3A, %add3A_805 : vector<1024x128xi32>
    %select_n3A_807 = arith.select %lt3A_802, %add3A_806, %select_n3A_795 : vector<1024x128xi1>, vector<1024x128xi32>
    %reduce_min3A_808 = arith.constant dense<0x7F800000> : vector<1024xf32>
    %reduce_min3A_809 = vector.multi_reduction <minimumf>, %select_n3A_803, %reduce_min3A_808 [1] : vector<1024x128xf32> to vector<1024xf32>
    %broadcast_in_dim3A_810 = vector.shape_cast %reduce_min3A_809 : vector<1024xf32> to vector<1024x1xf32>
    %eq3A_811 = vector.broadcast %broadcast_in_dim3A_810 : vector<1024x1xf32> to vector<1024x128xf32>
    %eq3A_812 = arith.cmpf oeq, %select_n3A_803, %eq3A_811 : vector<1024x128xf32>
    %jit3A_813 = arith.constant 2147483647 : i32
    %broadcast_in_dim3A_814 = vector.broadcast %jit3A_813 : i32 to vector<1024x128xi32>
    %select_n3A_815 = arith.select %eq3A_812, %select_n3A_807, %broadcast_in_dim3A_814 : vector<1024x128xi1>, vector<1024x128xi32>
    %reduce_min3A_816 = arith.constant dense<2147483647> : vector<1024xi32>
    %reduce_min3A_817 = vector.multi_reduction <minsi>, %select_n3A_815, %reduce_min3A_816 [1] : vector<1024x128xi32> to vector<1024xi32>
    %broadcast_in_dim3A_818 = vector.shape_cast %reduce_min3A_817 : vector<1024xi32> to vector<1024x1xi32>
    %lt3A_819 = arith.cmpf olt, %broadcast_in_dim3A_810, %select_n3A_617 : vector<1024x1xf32>
    %select_n3A_820 = arith.select %lt3A_819, %broadcast_in_dim3A_818, %select_n3A_618 : vector<1024x1xi1>, vector<1024x1xi32>
    %squeeze3A = vector.shape_cast %select_n3A_820 : vector<1024x1xi32> to vector<1024xi32>
    %swap3A = arith.constant 0 : index
    %swap3A_821 = arith.constant 0 : index
    %swap3A_822 = arith.constant 0 : index
    %swap3A_823 = vector.load %arg4[%swap3A, %swap3A_821, %swap3A_822] : memref<1x1x1024xi32, #tpu.memory_space<vmem>>, vector<1x1x1024xi32>
    %swap3A_824 = vector.shape_cast %swap3A_823 : vector<1x1x1024xi32> to vector<1024xi32>
    %swap3A_825 = vector.shape_cast %squeeze3A : vector<1024xi32> to vector<1x1x1024xi32>
    tpu.vector_store %arg4[%swap3A, %swap3A_821, %swap3A_822], %swap3A_825 {strides = array<i32>} : memref<1x1x1024xi32, #tpu.memory_space<vmem>>, vector<1x1x1024xi32>,
    return
  }
  func.func @transform_0(%arg0: i32) -> (i32, i32) {
    %c0_i32 = arith.constant 0 : i32
    %c0_i32_0 = arith.constant 0 : i32
    return %arg0, %c0_i32 : i32, i32
  }
  func.func @transform_1(%arg0: i32) -> (i32, i32) {
    %c0_i32 = arith.constant 0 : i32
    %c0_i32_0 = arith.constant 0 : i32
    %c0_i32_1 = arith.constant 0 : i32
    return %c0_i32, %c0_i32_0 : i32, i32
  }
  func.func @transform_2(%arg0: i32) -> (i32, i32) {
    %c0_i32 = arith.constant 0 : i32
    %c0_i32_0 = arith.constant 0 : i32
    %c0_i32_1 = arith.constant 0 : i32
    return %c0_i32, %c0_i32_0 : i32, i32
  }
  func.func @transform_3(%arg0: i32) -> (i32, i32, i32) {
    %c0_i32 = arith.constant 0 : i32
    %c0_i32_0 = arith.constant 0 : i32
    %c0_i32_1 = arith.constant 0 : i32
    return %arg0, %c0_i32, %c0_i32_0 : i32, i32, i32
  }
}

</mosaic_0001>

<sc_bundles>
// kernel: kernel.5.cloned.1.call-start
scs
__scs_entry_jumppad:
0x0: {  	(pc) =	sbr.rel $0x88, $3  }
0x1: {  	(tag) =	ssettag $0x0;
	lr =	simm.s32 $0x1  }
0x2: {  	[smem:$0x3F9F] =	sst lr;
	_ =	strace $0xD0000000  }
0x3: {  	_ = 	snop  }
0x4: {  	_ = 	snop  }
0x5: {  	_ = 	snop  }
0x6: {  	_ = 	snop  }
0x7: {  	_ = 	snop  }
__scs_overlays_trampoline_lowered:
0x8: {  	[smem:$0x3FAE] =	sst s0  }
0x9: {  	[smem:$0x3FAF] =	sst s1  }
0xa: {  	[smem:$0x3FB0] =	sst s2  }
0xb: {  	[smem:$0x3FB1] =	sst s3  }
0xc: {  	[smem:$0x3FB2] =	sst s4  }
0xd: {  	[smem:$0x3FB3] =	sst s5  }
0xe: {  	[smem:$0x3FB4] =	sst s6  }
0xf: {  	[smem:$0x3FB5] =	sst s7  }
0x10: {  	[smem:$0x3FB6] =	sst s8  }
0x11: {  	[smem:$0x3FB7] =	sst s9;
	s0 =	simm.s32 @!p0 $0x0  }
0x12: {  	s1 =	sld [smem:$0x3F9D];
	s0 =	simm.s32 @p0 $0x1  }
0x13: {  	[smem:$0x3FB8] =	sst s0;
	s0 =	simm.s32 @!p1 $0x0  }
0x14: {  	s2 =	sld [smem:$0x3F9C];
	s0 =	simm.s32 @p1 $0x1  }
0x15: {  	[smem:$0x3FB9] =	sst s0;
	s0 =	simm.s32 @!p2 $0x0  }
0x16: {  	s3 =	sld [smem:$0x3FDB];
	s0 =	simm.s32 @p2 $0x1  }
0x17: {  	s4 =	simm.s32 $0x1BF5;
	[smem:$0x3FBB] =	sst s0  }
0x18: {  	s0 =	sld [smem:$0x3F9E];
	_ =	swait.ge [sflag:s4], $0x0  }
0x19: {  	s7 =	sld [smem:$0x3F9F]  }
0x1a: {  	s8 =	sadd.s32 $0xFFFFE003, lr  }
0x1b: {  	s9 =	sadd.s32 $0xFFFFFEF7, lr;
	s5 =	simm.s32 $0xFFFFFFFF;
	p2 =	slt.u32 s8, $0xFFFFF086  }
0x1c: {  	p1 =	slt.u32 s9, $0xF7A;
	s5 =	simm.s32 @!p2 $0x0  }
0x1d: {  	s5 =	simm.s32 @p1 $0x1;
	p0 =	seq.s32 s7, s2  }
0x1e: {  	s7 =	smul.u32 @!p0 $0xF7A, s2;
	p2 =	seq.s32 @!p0 s5, $0x0  }
0x1f: {  	s9 =	smul.u32 $0xF7A, s1;
	s8 =	simm.s32 @!p0 $0x1BF5;
	p2 =	por !p2, p0  }
0x20: {  	[sflag:s8] =	ssyncset.s32 @!p0 $0xFFFFF086;
	s6 =	sadd.s32 @!p0 s3, s7;
	s7 =	simm.s32 @!p0 $0x108  }
0x21: {  	s3 =	sadd.s32 s3, s9;
	s6 =	sadd.s32 @!p0 $0x88, s6;
	s7 =	simm.s32 @p2 $0x1082  }
0x22: {  	[simem:s7], [sflag:s8] =	dma.local @!p0 [hbm:s6], $0xF7A  }
0x23: {  	s9 =	sor.u32 $0xD0000000, s2;
	s6 =	simm.s32 $0x108;
	_ =	swait.ge @!p0 [sflag:s8], $0x0  }
0x24: {  	s3 =	sadd.s32 $0x88, s3;
	s6 =	simm.s32 @!p1 $0x1082;
	[sflag:s4] =	ssyncset.s32 $0xFFFFF086  }
0x25: {  	[simem:s6], [sflag:s4] =	dma.local [hbm:s3], $0xF7A  }
0x26: {  	[smem:$0x3F9F] =	sst s1;
	(tag) =	ssettag s2;
	_ =	strace s9  }
0x27: {  	s1 =	sld [smem:$0x3FAF]  }
0x28: {  	s2 =	sld [smem:$0x3FB0]  }
0x29: {  	s4 =	sld [smem:$0x3FB2]  }
0x2a: {  	p0 =	seq.s32 s5, $0x0;
	s5 =	sld [smem:$0x3FB3]  }
0x2b: {  	s6 =	sld [smem:$0x3FB4]  }
0x2c: {  	s7 =	sld [smem:$0x3FB5]  }
0x2d: {  	s3 =	simm.s32 $0x108;
	s8 =	sld [smem:$0x3FB6]  }
0x2e: {  	s3 =	simm.s32 @!p0 $0x1082;
	s9 =	sld [smem:$0x3FB7]  }
0x2f: {  	lr =	sadd.s32 s0, s3;
	s0 =	sld [smem:$0x3FAE]  }
0x30: {  	s3 =	sld [smem:$0x3FB1]  }
0x31: {  	[smem:$0x3FBA] =	sst s10  }
0x32: {  	s10 =	sld [smem:$0x3FB8];
	_ =	sdelay $0x3  }
0x33: {  	p0 =	seq.s32 s10, $0x1;
	s10 =	sld [smem:$0x3FBA];
	_ =	sdelay $0x3  }
0x34: {  	[smem:$0x3FBA] =	sst s10  }
0x35: {  	s10 =	sld [smem:$0x3FB9];
	_ =	sdelay $0x3  }
0x36: {  	p1 =	seq.s32 s10, $0x1;
	s10 =	sld [smem:$0x3FBA];
	_ =	sdelay $0x3  }
0x37: {  	[smem:$0x3FBA] =	sst s10  }
0x38: {  	s10 =	sld [smem:$0x3FBB]  }
0x39: {  	_ = 	snop;
	(pc) =	sbr.ind lr, $3  }
0x3a: {  	_ = 	snop  }
0x3b: {  	_ = 	snop  }
0x3c: {  	p2 =	seq.s32 s10, $0x1;
	s10 =	sld [smem:$0x3FBA]  }
0x3d: {  	_ =	shalt  }
0x3e: {  	_ =	shalt  }
0x3f: {  	_ =	shalt  }
0x40: {  	_ =	shalt  }
0x41: {  	_ =	shalt  }
0x42: {  	_ =	shalt  }
0x43: {  	_ =	shalt  }
0x44: {  	_ =	shalt  }
0x45: {  	_ =	shalt  }
0x46: {  	_ =	shalt  }
0x47: {  	_ =	shalt  }
0x48: {  	_ =	shalt  }
0x49: {  	_ =	shalt  }
0x4a: {  	_ =	shalt  }
0x4b: {  	_ =	shalt  }
0x4c: {  	_ =	shalt  }
0x4d: {  	_ =	shalt  }
0x4e: {  	_ =	shalt  }
0x4f: {  	_ =	shalt  }
0x50: {  	_ =	shalt  }
0x51: {  	_ =	shalt  }
0x52: {  	_ =	shalt  }
0x53: {  	_ =	shalt  }
0x54: {  	_ =	shalt  }
0x55: {  	_ =	shalt  }
0x56: {  	_ =	shalt  }
0x57: {  	_ =	shalt  }
0x58: {  	_ =	shalt  }
0x59: {  	_ =	shalt  }
0x5a: {  	_ =	shalt  }
0x5b: {  	_ =	shalt  }
0x5c: {  	_ =	shalt  }
0x5d: {  	_ =	shalt  }
0x5e: {  	_ =	shalt  }
0x5f: {  	_ =	shalt  }
0x60: {  	_ =	shalt  }
0x61: {  	_ =	shalt  }
0x62: {  	_ =	shalt  }
0x63: {  	_ =	shalt  }
0x64: {  	_ =	shalt  }
0x65: {  	_ =	shalt  }
0x66: {  	_ =	shalt  }
0x67: {  	_ =	shalt  }
0x68: {  	_ =	shalt  }
0x69: {  	_ =	shalt  }
0x6a: {  	_ =	shalt  }
0x6b: {  	_ =	shalt  }
0x6c: {  	_ =	shalt  }
0x6d: {  	_ =	shalt  }
0x6e: {  	_ =	shalt  }
0x6f: {  	_ =	shalt  }
0x70: {  	_ =	shalt  }
0x71: {  	_ =	shalt  }
0x72: {  	_ =	shalt  }
0x73: {  	_ =	shalt  }
0x74: {  	_ =	shalt  }
0x75: {  	_ =	shalt  }
0x76: {  	_ =	shalt  }
0x77: {  	_ =	shalt  }
0x78: {  	_ =	shalt  }
0x79: {  	_ =	shalt  }
0x7a: {  	_ =	shalt  }
0x7b: {  	_ =	shalt  }
0x7c: {  	_ =	shalt  }
0x7d: {  	_ =	shalt  }
0x7e: {  	_ =	shalt  }
0x7f: {  	_ =	shalt  }
0x80: {  	_ =	shalt  }
0x81: {  	_ =	shalt  }
0x82: {  	_ =	shalt  }
0x83: {  	_ =	shalt  }
0x84: {  	_ =	shalt  }
0x85: {  	_ =	shalt  }
0x86: {  	_ =	shalt  }
0x87: {  	_ =	shalt  }
.Lfunc_end0:
.L_simem_size_0:
called_computation_lowered:
.L_overlay_start_0:
0x88: {  	s2 =	sld [smem:$0x3FD9]  }
0x89: {  	s3 =	sld [smem:$0x3FFE];
	_ =	sdelay $0x1  }
0x8a: {  	s1 =	srdreg.scid  }
0x8b: {  	s0 =	sand.u32 $0x1, s1  }
0x8c: {  	s14 =	sshll.u32 s0, $0xA;
	s2 =	sadd.s32 s3, s2  }
0x8d: {  	s2 =	sadd.s32 s2, s14  }
0x8e: {  	[smem:$0x3FC6] =	sst s2  }
0x8f: {  	_ = 	snop  }
0x90: {  	s2 =	sld [smem:$0x3FD0];
	_ =	sdelay $0x2  }
0x91: {  	s15 =	simm.s32 $0xA;
	s4 =	simm.s32 $0x10  }
0x92: {  	[smem:s4], [sflag:s15] =	dma.local [hbm:s2], $0x1  }
0x93: {  	_ =	swait.eq [sflag:s15], $0x1  }
0x94: {  	[sflag:s15] =	ssyncset.done $0x0  }
0x95: {  	[sflag:s15] =	ssyncadd.s32 $0xFFFFFFFF  }
0x96: {  	s16 =	sld [smem:$0x10];
	(tm) =	ssettm $0x1  }
0x97: {  	s17 =	sld [smem:$0x3FFB];
	_ =	sdelay $0x3  }
0x98: {  	_ =	strace s17  }
0x99: {  	s3 =	sld [smem:$0x3FFC];
	_ =	sdelay $0x3  }
0x9a: {  	_ =	strace s3  }
0x9b: {  	s3 =	sld [smem:$0x3FFD];
	_ =	sdelay $0x3  }
0x9c: {  	_ =	strace s3  }
0x9d: {  	_ =	strace $0x8FFFFFFF  }
0x9e: {  	s18 =	sld [smem:$0x3FDB];
	_ =	sdelay $0x1  }
0x9f: {  	s19 =	simm.s32 $_scs_section_size  }
0xa0: {  	s5 =	simm.s32 $_size__tile_overlayer_lowered;
	s6 =	simm.s32 $_tile_overlayer_lowered  }
0xa1: {  	s22 =	simm.s32 $0x1BFF;
	s21 =	sshll.u32 s6, $0x1;
	s3 =	sadd.s32 s19, s18  }
0xa2: {  	s7 =	simm.s32 $0x0;
	s20 =	sshll.u32 s5, $0x1;
	s5 =	sadd.s32 s21, s3  }
0xa3: {  	[timem:s7], [sflag:s22] =	dma.local [hbm:s5], s20  }
0xa4: {  	_ =	swait.ge [sflag:s22], s20  }
0xa5: {  	s4 =	ssub.s32 $0x0, s20;
	[sflag:s22] =	ssyncset.done $0x0  }
0xa6: {  	[sflag:s22] =	ssyncadd.s32 s4;
	_ =	sdelay $0x1  }
0xa7: {  	s23 =	simm.s32 $0x1B8B  }
0xa8: {  	_ =	swait.ge [sflag:s23], $0x1  }
0xa9: {  	[sflag:s23] =	ssyncset.done $0x0  }
0xaa: {  	s25 =	simm.s32 $0x1B8E;
	s24 =	sld [smem:$0x3FFE];
	[sflag:s23] =	ssyncadd.s32 $0xFFFFFFFF  }
0xab: {  	s26 =	simm.s32 $execute0_lowered;
	[smem:$0x3FD2] =	sst s25  }
0xac: {  	s5 =	sshll.u32 s26, $0x1;
	_ =	strace $0x80000046;
	[dreg:$0x1] =	wrdreg $0xFFFFFFFF  }
0xad: {  	s28 =	simm.s32 $_size_execute0_lowered;
	s3 =	sadd.s32 s3, s5;
	[dreg:$0x0] =	wrdreg $0x0  }
0xae: {  	s5 =	sshll.u32 s28, $0x1;
	[dreg:$0x2] =	wrdreg s3  }
0xaf: {  	[dreg:$0x3] =	wrdreg s5  }
0xb0: {  	[dreg:$0x4] =	wrdreg $0xC0  }
0xb1: {  	_ =	task [dreg:s7], $0x5FFFF  }
0xb2: {  	[dreg:$0x1] =	wrdreg $0xFFFFFFFF  }
0xb3: {  	[dreg:$0x0] =	wrdreg $0x60  }
0xb4: {  	[dreg:$0x2] =	wrdreg s24  }
0xb5: {  	[dreg:$0x3] =	wrdreg s16  }
0xb6: {  	[dreg:$0x4] =	wrdreg $0x23800  }
0xb7: {  	[dreg:$0x5] =	wrdreg $0x9  }
0xb8: {  	_ =	task.clear_ibuf [dreg:s7], $0x6FFFF;
	_ =	strace $0x90000046  }
0xb9: {  	s29 =	simm.s32 $0x9;
	_ =	strace $0x80000048  }
0xba: {  	_ =	swait.ge [sflag:s29], $0x1  }
0xbb: {  	[sflag:s29] =	ssyncadd.s32 $0xFFFFFFFF  }
0xbc: {  	_ =	strace $0x90000048  }
0xbd: {  	_ =	sfence  }
0xbe: {  	s30 =	sld [smem:$0x0];
	_ =	sdelay $0x2  }
0xbf: {  	s31 =	sshll.u32 s1, $0xD;
	s1 =	sshrl.u32 s1, $0x2  }
0xc0: {  	s3 =	sand.u32 $0x4000, s31;
	s1 =	sadd.s32 s1, s30  }
0xc1: {  	s0 =	sor.u32 s3, s0;
	s1 =	sshll.u32 s1, $0x11  }
0xc2: {  	s0 =	sor.u32 s1, s0  }
0xc3: {  	s0 =	sadd.s32 $0x8F2B, s0  }
0xc4: {  	[sflag:s0] =	ssyncadd.remote.s32 $0x1  }
0xc5: {  	_ =	sfence.sel $0xFFFF  }
0xc6: {  	[dreg:$0x0] =	wrdreg $0xFFFFFFFF;
	(pc) =	sbr.abs _section_cstart, $3  }
0xc7: {  	[dreg:$0x1] =	wrdreg $0xFFFFFFFF  }
0xc8: {  	_ =	task.clear_ibuf [dreg:s7], $0x2FFFF;
	_ =	strace $0x9FFFFFFF  }
0xc9: {  	(tm) =	ssettm $0x7FFFFFFF  }
tec
execute0_lowered:
.L_overlay_start_1:
0x0: {  	(tag) =	ssettag $0x1  }
0x1: {  	s13 =	rddreg [dreg:$0x0]  }
0x2: {  	s1 =	rddreg [dreg:$0x1]  }
0x3: {  	s2 =	rddreg [dreg:$0x2];
	s3 =	simm.s32 $0x0  }
0x4: {  	v0 =	vimm.f32 $1.000000000e+00;
	[smem:$0x7FF] =	sst s3  }
0x5: {  	s0 =	rddreg [dreg:$0x3];
	_ =	strace $0x80000047;
	[tilespmem:$0x2120] =	vst v0  }
0x6: {  	[tilespmem:$0x2130] =	vst v0  }
0x7: {  	[tilespmem:$0x2140] =	vst v0  }
0x8: {  	[tilespmem:$0x2150] =	vst v0  }
0x9: {  	[tilespmem:$0x2160] =	vst v0  }
0xa: {  	v1 =	vimm.f32 $0.0e+00;
	[tilespmem:$0x2170] =	vst v0  }
0xb: {  	[tilespmem:$0x2180] =	vst v1  }
0xc: {  	[tilespmem:$0x2190] =	vst v1  }
0xd: {  	[tilespmem:$0x21A0] =	vst v1  }
0xe: {  	[tilespmem:$0x21B0] =	vst v1  }
0xf: {  	[tilespmem:$0x21C0] =	vst v1  }
0x10: {  	[tilespmem:$0x21D0] =	vst v1  }
0x11: {  	[tilespmem:$0x21E0] =	vst v1  }
0x12: {  	[tilespmem:$0x21F0] =	vst v1  }
0x13: {  	[tilespmem:$0x2200] =	vst v1  }
0x14: {  	[tilespmem:$0x2210] =	vst v1  }
0x15: {  	[tilespmem:$0x2220] =	vst v1  }
0x16: {  	[tilespmem:$0x2230] =	vst v1  }
0x17: {  	[tilespmem:$0x2100] =	vst v0  }
0x18: {  	[tilespmem:$0x2370] =	vst v1  }
0x19: {  	[tilespmem:$0x2360] =	vst v1  }
0x1a: {  	[tilespmem:$0x2350] =	vst v1  }
0x1b: {  	[tilespmem:$0x2340] =	vst v1  }
0x1c: {  	[tilespmem:$0x2330] =	vst v1  }
0x1d: {  	[tilespmem:$0x2320] =	vst v1  }
0x1e: {  	[tilespmem:$0x2310] =	vst v1  }
0x1f: {  	[tilespmem:$0x2300] =	vst v1  }
0x20: {  	[tilespmem:$0x22F0] =	vst v1  }
0x21: {  	[tilespmem:$0x22E0] =	vst v1  }
0x22: {  	[tilespmem:$0x22D0] =	vst v1  }
0x23: {  	[tilespmem:$0x22C0] =	vst v1  }
0x24: {  	[tilespmem:$0x22B0] =	vst v1  }
0x25: {  	[tilespmem:$0x22A0] =	vst v1  }
0x26: {  	[tilespmem:$0x2290] =	vst v1  }
0x27: {  	[tilespmem:$0x2280] =	vst v1  }
0x28: {  	[tilespmem:$0x2270] =	vst v1  }
0x29: {  	[tilespmem:$0x2260] =	vst v1  }
0x2a: {  	s4 =	srdreg.scid;
	s15 =	stileid.u32;
	s5 =	simm.s32 $0x2180;
	[tilespmem:$0x2250] =	vst v1  }
0x2b: {  	s6 =	simm.s32 $0x2;
	s14 =	sand.u32 $0x1, s4;
	s30 =	sshll.u32 s15, $0x9;
	[tilespmem:$0x2240] =	vst v1  }
0x2c: {  	s7 =	sshll.u32 s15, $0x2;
	s8 =	sshll.u32 s14, $0x1;
	s4 =	sadd.s32 s30, s2;
	[tilespmem:$0x2110] =	vst v0  }
0x2d: {  	[spmem:s4] =	stream.linear.scatter [tilespmem:s5], [sflag:$0x2], $0x200, $0x38;
	[tilespmem:$0x2580] =	vst v63  }
0x2e: {  	s16 =	sor.u32 s8, s7;
	_ =	swait.ge [sflag:s6], $0x200  }
0x2f: {  	s7 =	sshll.u32 s16, $0x4;
	[sflag:s6] =	ssyncset.done $0x0  }
0x30: {  	s7 =	sadd.s32 s7, s13;
	[sflag:s6] =	ssyncadd.s32 $0xFFFFFE00  }
0x31: {  	s7 =	sadd.s32 $0xA00, s7;
	[bflag:$0x0] =	sbarrier.arrive $0xFFFF  }
0x32: {  	[tilespmem:s3], [sflag:$0x2] =	stream.linear.gather [hbm4b:s7+s3], $0x100, $0x38;
	[tilespmem:$0x2580] =	vst v63  }
0x33: {  	_ =	swait.ge [sflag:s6], $0x100  }
0x34: {  	[sflag:s6] =	ssyncset.done $0x0  }
0x35: {  	s9 =	simm.s32 $0x100;
	s8 =	simm.s32 $0x80;
	[sflag:s6] =	ssyncadd.s32 $0xFFFFFF00  }
0x36: {  	[tilespmem:s9], [sflag:$0x1] =	stream.indirect.gather [hbm4b:s1+s8], $0x20, s3, s8, $0xb8;
	[tilespmem:$0x2580] =	vst v63  }
0x37: {  	s10 =	simm.s32 $0x1100  }
0x38: {  	[tilespmem:s10], [sflag:$0x1] =	stream.indirect.gather [hbm4b:s1+s8], $0x20, s8, s8, $0xb8;
	[tilespmem:$0x2580] =	vst v63  }
0x39: {  	s11 =	simm.s32 $0x2100  }
0x3a: {  	[spmem:s2] =	stream.indirect.scatter.add.f32 [tilespmem:s11], [sflag:$0x2], $0x1, s3, s8, $0xb8;
	[tilespmem:$0x2580] =	vst v63  }
0x3b: {  	_ =	swait.ge [sflag:s6], $0x80  }
0x3c: {  	[sflag:s6] =	ssyncset.done $0x0  }
0x3d: {  	[sflag:s6] =	ssyncadd.s32 $0xFFFFFF80  }
0x3e: {  	[spmem:s2] =	stream.indirect.scatter.add.f32 [tilespmem:s11], [sflag:$0x2], $0x1, s8, s8, $0xb8;
	[tilespmem:$0x2580] =	vst v63  }
0x3f: {  	_ =	swait.ge [sflag:s6], $0x80  }
0x40: {  	[sflag:s6] =	ssyncset.done $0x0  }
0x41: {  	s12 =	simm.s32 $0x1;
	[sflag:s6] =	ssyncadd.s32 $0xFFFFFF80  }
0x42: {  	_ =	swait.ge [sflag:s12], $0x1000  }
0x43: {  	s17 =	sshll.u32 s14, $0xA;
	[sflag:s12] =	ssyncset.done $0x0  }
0x44: {  	s14 =	ssub.s32 $0x2, s14;
	s17 =	sadd.s32 s17, s13;
	[sflag:s12] =	ssyncadd.s32 $0xFFFFF000  }
0x45: {  	s18 =	sshrl.u32 s14, $0x1;
	s16 =	sshll.u32 s16, $0x9;
	_ =	swait.ge [sflag:s12], $0x1000  }
0x46: {  	s31 =	ssub.s32 s14, s18;
	s16 =	sadd.s32 s16, s13;
	[sflag:s12] =	ssyncset.done $0x0  }
0x47: {  	s13 =	sadd.s32 $0x1600, s16;
	s16 =	smax.u32 s31, $0x1;
	[sflag:s12] =	ssyncadd.s32 $0xFFFFF000  }
0x48: {  	[hbm4b:s13+s3] =	stream.linear.scatter [tilespmem:s9], [sflag:$0x2], $0x2000, $0x38;
	[tilespmem:$0x2580] =	vst v63  }
0x49: {  	s14 =	sadd.s32 $0xE00, s17;
	s17 =	sadd.s32 $0xFFFFFFFF, s16;
	_ =	swait.ge [sflag:s6], $0x2000  }
0x4a: {  	p0 =	sne.s32 s15, $0x0;
	p1 =	sne.s32 s17, $0x0;
	[sflag:s6] =	ssyncset.done $0x0  }
.Ltmp0:
0x4b: {  	s15 =	sshrl.u32 @!p0 s2, $0x3;
	[sflag:s6] =	ssyncadd.s32 $0xFFFFE000;
	(pc) =	sbr.rel @!p1 .LBB2_2-.Ltmp0, $4  }
0x4c: {  	s18 =	simm.s32 @!p0 $0x1C02;
	s16 =	simm.s32 @!p0 $0x2;
	[bflag:$0x0] =	sbarrier.arrive $0xFFFF  }
0x4d: {  	[hbm:s14], [sflag:s18] =	dma.local @!p0 [spmem:s15], $0x400  }
0x4e: {  	_ =	swait.ge @!p0 [sflag:s16], $0x400  }
0x4f: {  	[sflag:s16] =	ssyncset.done @!p0 $0x0  }
.LBB2_1:
0x50: {  	s17 =	sadd.s32 $0xFFFFFFFF, s17;
	[sflag:s16] =	ssyncadd.s32 @!p0 $0xFFFFFC00  }
0x51: {  	[tilespmem:$0x2120] =	vst v0;
	p1 =	sne.s32 s17, $0x0  }
0x52: {  	[tilespmem:$0x2130] =	vst v0  }
0x53: {  	[tilespmem:$0x2140] =	vst v0  }
0x54: {  	[tilespmem:$0x2150] =	vst v0  }
0x55: {  	[tilespmem:$0x2160] =	vst v0  }
0x56: {  	[tilespmem:$0x2170] =	vst v0  }
0x57: {  	[tilespmem:$0x2180] =	vst v1  }
0x58: {  	[tilespmem:$0x2190] =	vst v1  }
0x59: {  	[tilespmem:$0x21A0] =	vst v1  }
0x5a: {  	[tilespmem:$0x21B0] =	vst v1  }
0x5b: {  	[tilespmem:$0x21C0] =	vst v1  }
0x5c: {  	[tilespmem:$0x21D0] =	vst v1  }
0x5d: {  	[tilespmem:$0x21E0] =	vst v1  }
0x5e: {  	[tilespmem:$0x21F0] =	vst v1  }
0x5f: {  	[tilespmem:$0x2200] =	vst v1  }
0x60: {  	[tilespmem:$0x2210] =	vst v1  }
0x61: {  	[tilespmem:$0x2220] =	vst v1  }
0x62: {  	[tilespmem:$0x2230] =	vst v1  }
0x63: {  	[tilespmem:$0x2100] =	vst v0  }
0x64: {  	[tilespmem:$0x2370] =	vst v1  }
0x65: {  	[tilespmem:$0x2360] =	vst v1  }
0x66: {  	[tilespmem:$0x2350] =	vst v1  }
0x67: {  	[tilespmem:$0x2340] =	vst v1  }
0x68: {  	[tilespmem:$0x2330] =	vst v1  }
0x69: {  	[tilespmem:$0x2320] =	vst v1  }
0x6a: {  	[tilespmem:$0x2310] =	vst v1  }
0x6b: {  	[tilespmem:$0x2300] =	vst v1  }
0x6c: {  	[tilespmem:$0x22F0] =	vst v1  }
0x6d: {  	[tilespmem:$0x22E0] =	vst v1  }
0x6e: {  	[tilespmem:$0x22D0] =	vst v1  }
0x6f: {  	[tilespmem:$0x22C0] =	vst v1  }
0x70: {  	[tilespmem:$0x22B0] =	vst v1  }
0x71: {  	[tilespmem:$0x22A0] =	vst v1  }
0x72: {  	[tilespmem:$0x2290] =	vst v1  }
0x73: {  	[tilespmem:$0x2280] =	vst v1  }
0x74: {  	[tilespmem:$0x2270] =	vst v1  }
0x75: {  	[tilespmem:$0x2260] =	vst v1  }
0x76: {  	[tilespmem:$0x2250] =	vst v1  }
0x77: {  	[tilespmem:$0x2240] =	vst v1  }
0x78: {  	[tilespmem:$0x2110] =	vst v0  }
0x79: {  	[spmem:s4] =	stream.linear.scatter [tilespmem:s5], [sflag:$0x2], $0x200, $0x38;
	[tilespmem:$0x2580] =	vst v63  }
0x7a: {  	_ =	swait.ge [sflag:s6], $0x200  }
0x7b: {  	[sflag:s6] =	ssyncset.done $0x0  }
0x7c: {  	[sflag:s6] =	ssyncadd.s32 $0xFFFFFE00  }
0x7d: {  	[bflag:$0x0] =	sbarrier.arrive $0xFFFF  }
0x7e: {  	[tilespmem:s3], [sflag:$0x2] =	stream.linear.gather [hbm4b:s7+s3], $0x100, $0x38;
	[tilespmem:$0x2580] =	vst v63  }
0x7f: {  	_ =	swait.ge [sflag:s6], $0x100  }
0x80: {  	[sflag:s6] =	ssyncset.done $0x0  }
0x81: {  	[sflag:s6] =	ssyncadd.s32 $0xFFFFFF00  }
0x82: {  	[tilespmem:s9], [sflag:$0x1] =	stream.indirect.gather [hbm4b:s1+s8], $0x20, s3, s8, $0xb8;
	[tilespmem:$0x2580] =	vst v63  }
0x83: {  	_ = 	snop  }
0x84: {  	[tilespmem:s10], [sflag:$0x1] =	stream.indirect.gather [hbm4b:s1+s8], $0x20, s8, s8, $0xb8;
	[tilespmem:$0x2580] =	vst v63  }
0x85: {  	_ = 	snop  }
0x86: {  	[spmem:s2] =	stream.indirect.scatter.add.f32 [tilespmem:s11], [sflag:$0x2], $0x1, s3, s8, $0xb8;
	[tilespmem:$0x2580] =	vst v63  }
0x87: {  	_ =	swait.ge [sflag:s6], $0x80  }
0x88: {  	[sflag:s6] =	ssyncset.done $0x0  }
0x89: {  	[sflag:s6] =	ssyncadd.s32 $0xFFFFFF80  }
0x8a: {  	[spmem:s2] =	stream.indirect.scatter.add.f32 [tilespmem:s11], [sflag:$0x2], $0x1, s8, s8, $0xb8;
	[tilespmem:$0x2580] =	vst v63  }
0x8b: {  	_ =	swait.ge [sflag:s6], $0x80  }
0x8c: {  	[sflag:s6] =	ssyncset.done $0x0  }
0x8d: {  	[sflag:s6] =	ssyncadd.s32 $0xFFFFFF80  }
0x8e: {  	_ =	swait.ge [sflag:s12], $0x1000  }
0x8f: {  	[sflag:s12] =	ssyncset.done $0x0  }
0x90: {  	[sflag:s12] =	ssyncadd.s32 $0xFFFFF000  }
0x91: {  	_ =	swait.ge [sflag:s12], $0x1000  }
0x92: {  	[sflag:s12] =	ssyncset.done $0x0  }
0x93: {  	[sflag:s12] =	ssyncadd.s32 $0xFFFFF000  }
0x94: {  	[hbm4b:s13+s3] =	stream.linear.scatter [tilespmem:s9], [sflag:$0x2], $0x2000, $0x38;
	[tilespmem:$0x2580] =	vst v63  }
0x95: {  	_ =	swait.ge [sflag:s6], $0x2000  }
0x96: {  	[sflag:s6] =	ssyncset.done $0x0  }
.Ltmp1:
0x97: {  	[sflag:s6] =	ssyncadd.s32 $0xFFFFE000;
	(pc) =	sbr.rel @p1 .LBB2_1-.Ltmp1, $4  }
0x98: {  	[bflag:$0x0] =	sbarrier.arrive $0xFFFF  }
0x99: {  	[hbm:s14], [sflag:s18] =	dma.local @!p0 [spmem:s15], $0x400  }
0x9a: {  	_ =	swait.ge @!p0 [sflag:s16], $0x400  }
0x9b: {  	[sflag:s16] =	ssyncset.done @!p0 $0x0  }
.LBB2_2:
0x9c: {  	[sflag:s16] =	ssyncadd.s32 @!p0 $0xFFFFFC00  }
0x9d: {  	_ =	sfence.sel $0x180000  }
0x9e: {  	[bflag:$0x0] =	sbarrier.arrive $0xFFFF  }
0x9f: {  	_ =	strace $0x90000047  }
0xa0: {  	s0 =	sadd.s32 @!p0 $0x100000, s0;
	[bflag:$0x2] =	sbarrier.arrive $0xFFFF  }
0xa1: {  	[sflag:s0] =	ssyncadd.tile.s32 @!p0 $0x1;
	_ =	shalt  }
.Lfunc_end2:
_tile_overlayer_lowered:
.L_overlay_start_2:
0xa2: {  	(tag) =	ssettag $0x2  }
0xa3: {  	s0 =	rddreg [dreg:$0x0];
	s2 =	stileid.u32  }
0xa4: {  	s1 =	rddreg [dreg:$0x1];
	p0 =	sne.s32 s2, $0x0  }
0xa5: {  	s3 =	rddreg [dreg:$0x2];
	[bflag:$0x3] =	sbarrier.arrive $0xFFFF;
	s2 =	simm.s32 @!p0 $0x1C02  }
0xa6: {  	[timem:s3], [sflag:s2] =	dma.local @!p0 [hbm:s0], s1  }
0xa7: {  	s0 =	simm.s32 @!p0 $0x2  }
0xa8: {  	_ =	swait.ge @!p0 [sflag:s0], s1  }
0xa9: {  	s1 =	ssub.s32 @!p0 $0x0, s1;
	[sflag:s0] =	ssyncset.done @!p0 $0x0  }
0xaa: {  	[sflag:s0] =	ssyncadd.s32 @!p0 s1  }
0xab: {  	[bflag:$0x3] =	sbarrier.arrive $0xFFFF  }
0xac: {  	_ =	shalt  }

</sc_bundles>
